<compile_context>
chip_gen: v7x
topology: tpu7x:2x2x1
jax: 0.10.2.dev20260603
libtpu: 0.0.44.dev20260713+nightly
codegen_flags: <defaults>
</compile_context>

<pallas_src>
import functools

import jax
import jax.numpy as jnp
from jax import lax
from jax.experimental import pallas as pl
from jax.experimental.pallas import tpu as pltpu
from jax.experimental.pallas import tpu_sc as plsc

N = 10000
NPAD = 10240
E = 320000
D = 128
HID = 256
NSC = 2
NTILE = 16
NW = NSC * NTILE
KC = 128
NCK = 80
EPT = NCK * KC
EPAD = NW * EPT
RPT = NPAD // NTILE

_mesh = plsc.VectorSubcoreMesh(core_axis_name="c", subcore_axis_name="s")



@functools.partial(
    pl.kernel,
    out_type=jax.ShapeDtypeStruct((NSC, NPAD, D), jnp.float32),
    mesh=_mesh,
    scratch_types=[
        pltpu.VMEM((NCK, KC), jnp.int32),
        pltpu.VMEM((KC, D), jnp.float32),
        pltpu.VMEM_SHARED((NPAD, D), jnp.float32),
        pltpu.SemaphoreType.DMA,
        pltpu.SemaphoreType.DMA,
    ],
)
def _degree(dst_hbm, zeros_hbm, ones_hbm, hist_hbm,
            dsts, ones_v, acc_sh, s0, s1):
    ssem = (s0, s1)
    c = lax.axis_index("c")
    s = lax.axis_index("s")
    wid = c * NTILE + s
    pltpu.sync_copy(zeros_hbm.at[pl.ds(s * RPT, RPT)],
                    acc_sh.at[pl.ds(s * RPT, RPT)])
    pltpu.sync_copy(dst_hbm.at[wid], dsts)
    pltpu.sync_copy(ones_hbm, ones_v)
    plsc.subcore_barrier()

    def body(g, carry):
        for b in range(2):
            j = g * 2 + b
            @pl.when(j >= 1)
            def _():
                pltpu.make_async_copy(
                    ones_v, acc_sh.at[dsts.at[j - 1]], ssem[1 - b]).wait()
            pltpu.async_copy(ones_v, acc_sh.at[dsts.at[j]], ssem[b], add=True)
        return carry

    lax.fori_loop(0, NCK // 2, body, 0)
    pltpu.make_async_copy(
        ones_v, acc_sh.at[dsts.at[NCK - 1]], ssem[1]).wait()
    plsc.subcore_barrier()
    pltpu.sync_copy(acc_sh.at[pl.ds(s * RPT, RPT)],
                    hist_hbm.at[c, pl.ds(s * RPT, RPT)])


@functools.partial(
    pl.kernel,
    out_type=jax.ShapeDtypeStruct((NSC, NPAD, D), jnp.float32),
    mesh=_mesh,
    scratch_types=[
        pltpu.VMEM((NCK, KC), jnp.int32),
        pltpu.VMEM((2, KC), jnp.int32),
        pltpu.VMEM((KC, D), jnp.float32),
        pltpu.VMEM((KC, D), jnp.float32),
        pltpu.VMEM_SHARED((NPAD, D), jnp.float32),
        pltpu.SemaphoreType.DMA,
        pltpu.SemaphoreType.DMA,
        pltpu.SemaphoreType.DMA,
        pltpu.SemaphoreType.DMA,
        pltpu.SemaphoreType.DMA,
        pltpu.SemaphoreType.DMA,
    ],
)
def _spmm(g_hbm, src_hbm, dst_hbm, zeros_hbm, acc_hbm,
          srcs, dst_t, r0, r1, acc_sh,
          g0, g1, s0, s1, d0, d1):
    rows = (r0, r1)
    gsem = (g0, g1)
    ssem = (s0, s1)
    dsem = (d0, d1)
    c = lax.axis_index("c")
    s = lax.axis_index("s")
    wid = c * NTILE + s
    pltpu.sync_copy(zeros_hbm.at[pl.ds(s * RPT, RPT)],
                    acc_sh.at[pl.ds(s * RPT, RPT)])
    pltpu.sync_copy(src_hbm.at[wid], srcs)
    pltpu.async_copy(dst_hbm.at[wid, 0], dst_t.at[0], dsem[0])
    pltpu.async_copy(g_hbm.at[srcs.at[0]], rows[0], gsem[0])
    plsc.subcore_barrier()

    def body(g, carry):
        for b in range(2):
            j = g * 2 + b
            pltpu.make_async_copy(
                g_hbm.at[srcs.at[j]], rows[b], gsem[b]).wait()
            pltpu.make_async_copy(
                dst_hbm.at[wid, j], dst_t.at[b], dsem[b]).wait()

            @pl.when(j >= 1)
            def _():
                pltpu.make_async_copy(
                    rows[1 - b], acc_sh.at[dst_t.at[1 - b]],
                    ssem[1 - b]).wait()
            pltpu.async_copy(rows[b], acc_sh.at[dst_t.at[b]], ssem[b],
                             add=True)

            @pl.when(j + 1 < NCK)
            def _():
                pltpu.async_copy(dst_hbm.at[wid, j + 1], dst_t.at[1 - b],
                                 dsem[1 - b])
                pltpu.async_copy(g_hbm.at[srcs.at[j + 1]], rows[1 - b],
                                 gsem[1 - b])
        return carry

    lax.fori_loop(0, NCK // 2, body, 0)
    pltpu.make_async_copy(
        rows[1], acc_sh.at[dst_t.at[1]], ssem[1]).wait()
    plsc.subcore_barrier()
    pltpu.sync_copy(acc_sh.at[pl.ds(s * RPT, RPT)],
                    acc_hbm.at[c, pl.ds(s * RPT, RPT)])



def _dis_g1_body(hist_ref, x_ref, dis_ref, g1_ref):
    deg = hist_ref[0, :, 0:1] + hist_ref[1, :, 0:1] + 1.0
    dis = lax.rsqrt(deg)
    dis_ref[...] = dis
    g1_ref[...] = x_ref[...] * dis


def _mid_body(acc_ref, dis_ref, g1_ref, w1_ref, b1_ref, w2_ref, g2_ref):
    dis = dis_ref[...]
    s1 = dis * (acc_ref[0] + acc_ref[1] + g1_ref[...])
    h = jnp.maximum(
        jnp.dot(s1, w1_ref[...], preferred_element_type=jnp.float32)
        + b1_ref[...], 0.0)
    t = jnp.dot(h, w2_ref[...], preferred_element_type=jnp.float32)
    g2_ref[...] = dis * t


def _final_body(acc_ref, dis_ref, g2_ref, b2_ref, out_ref):
    dis = dis_ref[...]
    out_ref[...] = dis * (acc_ref[0] + acc_ref[1] + g2_ref[...]) + b2_ref[...]


def kernel(x, edge_index, W1, b1, W2, b2):
    src = edge_index[0].astype(jnp.int32)
    dst = edge_index[1].astype(jnp.int32)
    npad_w = (EPAD - E) // NW
    nreal_w = E // NW
    pad_src = (jnp.arange(NW * npad_w, dtype=jnp.int32) * 37) % N
    pad_dst = N + jnp.arange(NW * npad_w, dtype=jnp.int32) % (NPAD - N)
    src_p = jnp.concatenate(
        [src.reshape(NW, nreal_w), pad_src.reshape(NW, npad_w)],
        axis=1).reshape(NW, NCK, KC)
    dst_p = jnp.concatenate(
        [dst.reshape(NW, nreal_w), pad_dst.reshape(NW, npad_w)],
        axis=1).reshape(NW, NCK, KC)
    x_pad = jnp.zeros((NPAD, D), jnp.float32).at[:N].set(x)
    zeros_nd = jnp.zeros((NPAD, D), jnp.float32)
    hist = _degree(dst_p, zeros_nd, jnp.ones((KC, D), jnp.float32))

    rb = 1024
    dis, g1 = pl.pallas_call(
        _dis_g1_body,
        grid=(NPAD // rb,),
        in_specs=[
            pl.BlockSpec((NSC, rb, D), lambda i: (0, i, 0)),
            pl.BlockSpec((rb, D), lambda i: (i, 0)),
        ],
        out_specs=[
            pl.BlockSpec((rb, 1), lambda i: (i, 0)),
            pl.BlockSpec((rb, D), lambda i: (i, 0)),
        ],
        out_shape=[
            jax.ShapeDtypeStruct((NPAD, 1), jnp.float32),
            jax.ShapeDtypeStruct((NPAD, D), jnp.float32),
        ],
    )(hist, x_pad)

    acc1 = _spmm(g1, src_p, dst_p, zeros_nd)

    g2 = pl.pallas_call(
        _mid_body,
        grid=(NPAD // rb,),
        in_specs=[
            pl.BlockSpec((NSC, rb, D), lambda i: (0, i, 0)),
            pl.BlockSpec((rb, 1), lambda i: (i, 0)),
            pl.BlockSpec((rb, D), lambda i: (i, 0)),
            pl.BlockSpec((D, HID), lambda i: (0, 0)),
            pl.BlockSpec((1, HID), lambda i: (0, 0)),
            pl.BlockSpec((HID, D), lambda i: (0, 0)),
        ],
        out_specs=pl.BlockSpec((rb, D), lambda i: (i, 0)),
        out_shape=jax.ShapeDtypeStruct((NPAD, D), jnp.float32),
    )(acc1, dis, g1, W1, b1.reshape(1, HID), W2)

    acc2 = _spmm(g2, src_p, dst_p, zeros_nd)

    rf = 2000
    out = pl.pallas_call(
        _final_body,
        grid=(N // rf,),
        in_specs=[
            pl.BlockSpec((NSC, rf, D), lambda i: (0, i, 0)),
            pl.BlockSpec((rf, 1), lambda i: (i, 0)),
            pl.BlockSpec((rf, D), lambda i: (i, 0)),
            pl.BlockSpec((1, D), lambda i: (0, 0)),
        ],
        out_specs=pl.BlockSpec((rf, D), lambda i: (i, 0)),
        out_shape=jax.ShapeDtypeStruct((N, D), jnp.float32),
    )(acc2, dis, g2, b2.reshape(1, D))
    return out

# --- scband reference (transcript-rebuilt; emitter-appended) ---
"""Pipeline reference for scband-gcnencoder-1924145349137 (READ-ONLY COPY).

The authoritative reference and input builder live on the scoring server;
editing this copy changes nothing except your own understanding.
"""

import jax, jax.numpy as jnp
import numpy as np

N_NODES = 10000
N_EDGES = 320000
IN_FEAT = 128
LATENT = 128
HIDDEN = 2 * LATENT


def setup_inputs(seed: int = 0) -> dict:
    key = jax.random.key(seed)
    k_x, k_e, k_w1, k_b1, k_w2, k_b2 = jax.random.split(key, 6)
    x = jax.random.normal(k_x, (N_NODES, IN_FEAT), dtype=jnp.float32)
    edge_index = jax.random.randint(k_e, (2, N_EDGES), 0, N_NODES, dtype=jnp.int64)
    # GCNConv weights (glorot-style init)
    s1 = float(np.sqrt(6.0 / (IN_FEAT + HIDDEN)))
    W1 = jax.random.uniform(k_w1, (IN_FEAT, HIDDEN), dtype=jnp.float32, minval=-s1, maxval=s1)
    b1 = jnp.zeros((HIDDEN,), dtype=jnp.float32)
    s2 = float(np.sqrt(6.0 / (HIDDEN + LATENT)))
    W2 = jax.random.uniform(k_w2, (HIDDEN, LATENT), dtype=jnp.float32, minval=-s2, maxval=s2)
    b2 = jnp.zeros((LATENT,), dtype=jnp.float32)
    return {"x": x, "edge_index": edge_index, "W1": W1, "b1": b1, "W2": W2, "b2": b2}


def gcn_conv(x, edge_index, W, b):
    # PyG GCNConv semantics: add self-loops, symmetric normalization D^-1/2 (A+I) D^-1/2 X W + b
    n = x.shape[0]
    loop = jnp.arange(n, dtype=edge_index.dtype)
    src = jnp.concatenate([edge_index[0], loop])
    dst = jnp.concatenate([edge_index[1], loop])
    h = x @ W
    ones = jnp.ones(src.shape[0], dtype=h.dtype)
    deg = jax.ops.segment_sum(ones, dst, num_segments=n)
    deg_inv_sqrt = jnp.where(deg > 0, 1.0 / jnp.sqrt(jnp.where(deg > 0, deg, 1.0)), 0.0)
    norm = deg_inv_sqrt[src] * deg_inv_sqrt[dst]
    msgs = h[src] * norm[:, None]
    out = jax.ops.segment_sum(msgs, dst, num_segments=n)
    return out + b


def reference(x, edge_index, W1, b1, W2, b2):
    h = jax.nn.relu(gcn_conv(x, edge_index, W1, b1))
    return gcn_conv(h, edge_index, W2, b2)

if __name__ == "__main__":
    import jax
    _d = setup_inputs()
    print(jax.jit(kernel)(*tuple(_d.values())))

</pallas_src>

<mosaic_0001>
#map = affine_map<(d0, d1) -> (0, 0)>
#map1 = affine_map<(d0, d1) -> (0, 0, 0)>
module attributes {stable_mosaic.version = 14 : i64} {
  func.func @_spmm(%arg0: i32, %arg1: i32, %arg2: memref<10240x128xf32, #tpu.memory_space<hbm>>, %arg3: memref<32x80x128xi32, #tpu.memory_space<hbm>>, %arg4: memref<32x80x128xi32, #tpu.memory_space<hbm>>, %arg5: memref<10240x128xf32, #tpu.memory_space<hbm>>, %arg6: memref<2x10240x128xf32, #tpu.memory_space<hbm>>, %arg7: memref<80x128xi32, #tpu.memory_space<vmem>>, %arg8: memref<2x128xi32, #tpu.memory_space<vmem>>, %arg9: memref<128x128xf32, #tpu.memory_space<vmem>>, %arg10: memref<128x128xf32, #tpu.memory_space<vmem>>, %arg11: memref<10240x128xf32, #tpu.memory_space<vmem_shared>>, %arg12: memref<!tpu.dma_semaphore, #tpu.memory_space<semaphore_mem>>, %arg13: memref<!tpu.dma_semaphore, #tpu.memory_space<semaphore_mem>>, %arg14: memref<!tpu.dma_semaphore, #tpu.memory_space<semaphore_mem>>, %arg15: memref<!tpu.dma_semaphore, #tpu.memory_space<semaphore_mem>>, %arg16: memref<!tpu.dma_semaphore, #tpu.memory_space<semaphore_mem>>, %arg17: memref<!tpu.dma_semaphore, #tpu.memory_space<semaphore_mem>>) attributes {dimension_semantics = [#tpu.dimension_semantics<core_parallel>, #tpu.dimension_semantics<subcore_parallel>], iteration_bounds = array<i64: 2, 16>, scalar_prefetch = 0 : i64, scratch_operands = 11 : i64, tpu.core_type = #tpu.core_type<sc_vector_subcore>, window_params = [{transform_indices = #map}, {transform_indices = #map1}, {transform_indices = #map1}, {transform_indices = #map}, {transform_indices = #map1}]} {
    %mul3A = arith.constant 16 : i32
    %mul3A_0 = arith.muli %arg0, %mul3A : i32
    %add3A = arith.addi %mul3A_0, %arg1 : i32
    %mul3A_1 = arith.constant 640 : i32
    %mul3A_2 = arith.muli %arg1, %mul3A_1 : i32
    %mul3A_3 = arith.constant 640 : i32
    %mul3A_4 = arith.muli %arg1, %mul3A_3 : i32
    "tpu.region"() ({
      %run_scoped3A = tpu.sem_alloc : memref<!tpu.dma_semaphore, #tpu.memory_space<semaphore_mem>>
      %dma_start3A_41 = arith.constant 0 : i32
      %dma_start3A_42 = tpu.memref_slice %arg11[%mul3A_4, %dma_start3A_41] : memref<10240x128xf32, #tpu.memory_space<vmem_shared>> -> memref<640x128xf32, #tpu.memory_space<vmem_shared>>
      %dma_start3A_43 = arith.constant 0 : i32
      %dma_start3A_44 = tpu.memref_slice %arg5[%mul3A_2, %dma_start3A_43] : memref<10240x128xf32, #tpu.memory_space<hbm>> -> memref<640x128xf32, #tpu.memory_space<hbm>>
      tpu.enqueue_dma source(%dma_start3A_44 : memref<640x128xf32, #tpu.memory_space<hbm>>) target(%dma_start3A_42 : memref<640x128xf32, #tpu.memory_space<vmem_shared>>) target_semaphore(%run_scoped3A : memref<!tpu.dma_semaphore, #tpu.memory_space<semaphore_mem>>)
      %dma_wait3A_45 = arith.constant 0 : i32
      %dma_wait3A_46 = tpu.memref_slice %arg11[%mul3A_4, %dma_wait3A_45] : memref<10240x128xf32, #tpu.memory_space<vmem_shared>> -> memref<640x128xf32, #tpu.memory_space<vmem_shared>>
      %dma_wait3A_47 = arith.constant 0 : i32
      %dma_wait3A_48 = tpu.memref_slice %arg5[%mul3A_2, %dma_wait3A_47] : memref<10240x128xf32, #tpu.memory_space<hbm>> -> memref<640x128xf32, #tpu.memory_space<hbm>>
      tpu.wait_dma2 semaphore(%run_scoped3A : memref<!tpu.dma_semaphore, #tpu.memory_space<semaphore_mem>>) src(%dma_wait3A_48 : memref<640x128xf32, #tpu.memory_space<hbm>>) dst(%dma_wait3A_46 : memref<640x128xf32, #tpu.memory_space<vmem_shared>>)
      tpu.yield
    }) : () -> ()
    "tpu.region"() ({
      %run_scoped3A = tpu.sem_alloc : memref<!tpu.dma_semaphore, #tpu.memory_space<semaphore_mem>>
      %dma_start3A_41 = arith.constant 0 : i32
      %dma_start3A_42 = arith.constant 0 : i32
      %dma_start3A_43 = tpu.memref_slice %arg3[%add3A, %dma_start3A_41, %dma_start3A_42] : memref<32x80x128xi32, #tpu.memory_space<hbm>> -> memref<1x80x128xi32, #tpu.memory_space<hbm>>
      %dma_start3A_44 = tpu.memref_squeeze %dma_start3A_43 : memref<1x80x128xi32, #tpu.memory_space<hbm>> -> memref<80x128xi32, #tpu.memory_space<hbm>>
      %dma_start3A_45 = arith.constant 0 : i32
      %dma_start3A_46 = arith.constant 0 : i32
      %dma_start3A_47 = tpu.memref_slice %arg3[%add3A, %dma_start3A_45, %dma_start3A_46] : memref<32x80x128xi32, #tpu.memory_space<hbm>> -> memref<1x80x128xi32, #tpu.memory_space<hbm>>
      %dma_start3A_48 = tpu.memref_squeeze %dma_start3A_47 : memref<1x80x128xi32, #tpu.memory_space<hbm>> -> memref<80x128xi32, #tpu.memory_space<hbm>>
      tpu.enqueue_dma source(%dma_start3A_48 : memref<80x128xi32, #tpu.memory_space<hbm>>) target(%arg7 : memref<80x128xi32, #tpu.memory_space<vmem>>) target_semaphore(%run_scoped3A : memref<!tpu.dma_semaphore, #tpu.memory_space<semaphore_mem>>)
      %dma_wait3A_49 = arith.constant 0 : i32
      %dma_wait3A_50 = arith.constant 0 : i32
      %dma_wait3A_51 = tpu.memref_slice %arg3[%add3A, %dma_wait3A_49, %dma_wait3A_50] : memref<32x80x128xi32, #tpu.memory_space<hbm>> -> memref<1x80x128xi32, #tpu.memory_space<hbm>>
      %dma_wait3A_52 = tpu.memref_squeeze %dma_wait3A_51 : memref<1x80x128xi32, #tpu.memory_space<hbm>> -> memref<80x128xi32, #tpu.memory_space<hbm>>
      %dma_wait3A_53 = arith.constant 0 : i32
      %dma_wait3A_54 = arith.constant 0 : i32
      %dma_wait3A_55 = tpu.memref_slice %arg3[%add3A, %dma_wait3A_53, %dma_wait3A_54] : memref<32x80x128xi32, #tpu.memory_space<hbm>> -> memref<1x80x128xi32, #tpu.memory_space<hbm>>
      %dma_wait3A_56 = tpu.memref_squeeze %dma_wait3A_55 : memref<1x80x128xi32, #tpu.memory_space<hbm>> -> memref<80x128xi32, #tpu.memory_space<hbm>>
      tpu.wait_dma2 semaphore(%run_scoped3A : memref<!tpu.dma_semaphore, #tpu.memory_space<semaphore_mem>>) src(%dma_wait3A_56 : memref<80x128xi32, #tpu.memory_space<hbm>>) dst(%arg7 : memref<80x128xi32, #tpu.memory_space<vmem>>)
      tpu.yield
    }) : () -> ()
    %dma_start3A = arith.constant 0 : i32
    %dma_start3A_5 = arith.constant 0 : i32
    %dma_start3A_6 = arith.constant 0 : i32
    %dma_start3A_7 = tpu.memref_slice %arg8[%dma_start3A_5, %dma_start3A_6] : memref<2x128xi32, #tpu.memory_space<vmem>> -> memref<1x128xi32, #tpu.memory_space<vmem>>
    %dma_start3A_8 = tpu.memref_squeeze %dma_start3A_7 : memref<1x128xi32, #tpu.memory_space<vmem>> -> memref<128xi32, #tpu.memory_space<vmem>>
    %dma_start3A_9 = arith.constant 0 : i32
    %dma_start3A_10 = tpu.memref_slice %arg4[%add3A, %dma_start3A, %dma_start3A_9] : memref<32x80x128xi32, #tpu.memory_space<hbm>> -> memref<1x1x128xi32, #tpu.memory_space<hbm>>
    %dma_start3A_11 = tpu.memref_squeeze %dma_start3A_10 : memref<1x1x128xi32, #tpu.memory_space<hbm>> -> memref<128xi32, #tpu.memory_space<hbm>>
    %dma_start3A_12 = arith.constant 0 : i32
    %dma_start3A_13 = tpu.memref_slice %arg8[%dma_start3A_5, %dma_start3A_12] : memref<2x128xi32, #tpu.memory_space<vmem>> -> memref<1x128xi32, #tpu.memory_space<vmem>>
    %dma_start3A_14 = tpu.memref_squeeze %dma_start3A_13 : memref<1x128xi32, #tpu.memory_space<vmem>> -> memref<128xi32, #tpu.memory_space<vmem>>
    %dma_start3A_15 = arith.constant 0 : i32
    %dma_start3A_16 = tpu.memref_slice %arg4[%add3A, %dma_start3A, %dma_start3A_15] : memref<32x80x128xi32, #tpu.memory_space<hbm>> -> memref<1x1x128xi32, #tpu.memory_space<hbm>>
    %dma_start3A_17 = tpu.memref_squeeze %dma_start3A_16 : memref<1x1x128xi32, #tpu.memory_space<hbm>> -> memref<128xi32, #tpu.memory_space<hbm>>
    tpu.enqueue_dma source(%dma_start3A_17 : memref<128xi32, #tpu.memory_space<hbm>>) target(%dma_start3A_14 : memref<128xi32, #tpu.memory_space<vmem>>) target_semaphore(%arg16 : memref<!tpu.dma_semaphore, #tpu.memory_space<semaphore_mem>>)
    %dma_start3A_18 = arith.constant 0 : i32
    %dma_start3A_19 = arith.constant 0 : i32
    %dma_start3A_20 = tpu.memref_slice %arg7[%dma_start3A_18, %dma_start3A_19] : memref<80x128xi32, #tpu.memory_space<vmem>> -> memref<1x128xi32, #tpu.memory_space<vmem>>
    %dma_start3A_21 = tpu.memref_squeeze %dma_start3A_20 : memref<1x128xi32, #tpu.memory_space<vmem>> -> memref<128xi32, #tpu.memory_space<vmem>>
    %dma_start3A_22 = arith.constant 0 : i32
    %dma_start3A_23 = arith.constant 0 : i32
    %dma_start3A_24 = tpu.memref_slice %arg2[%dma_start3A_22, %dma_start3A_23] : memref<10240x128xf32, #tpu.memory_space<hbm>> -> memref<10240x128xf32, #tpu.memory_space<hbm>>
    tpu.enqueue_indirect_dma source(%dma_start3A_24 : memref<10240x128xf32, #tpu.memory_space<hbm>>) target(%arg9 : memref<128x128xf32, #tpu.memory_space<vmem>>) offsets(%dma_start3A_21 : memref<128xi32, #tpu.memory_space<vmem>>) semaphore(%arg12 : memref<!tpu.dma_semaphore, #tpu.memory_space<semaphore_mem>>)
    %barrier3A = arith.constant 0 : index
    tpu.barrier barrier_id(%barrier3A)
    %scan3A = arith.constant 0 : i32
    %scan3A_25 = arith.constant 0 : i32
    %scan3A_26 = arith.constant 40 : i32
    %scan3A_27 = arith.addi %scan3A_25, %scan3A_26 : i32
    %scan3A_28 = arith.constant 1 : i32
    scf.for %scan3A_41 = %scan3A_25 to %scan3A_27 step %scan3A_28  : i32 {
      %mul3A_42 = arith.constant 2 : i32
      %mul3A_43 = arith.muli %scan3A_41, %mul3A_42 : i32
      %add3A_44 = arith.constant 0 : i32
      %add3A_45 = arith.addi %mul3A_43, %add3A_44 : i32
      %dma_wait3A_46 = arith.constant 0 : i32
      %dma_wait3A_47 = tpu.memref_slice %arg7[%add3A_45, %dma_wait3A_46] : memref<80x128xi32, #tpu.memory_space<vmem>> -> memref<1x128xi32, #tpu.memory_space<vmem>>
      %dma_wait3A_48 = tpu.memref_squeeze %dma_wait3A_47 : memref<1x128xi32, #tpu.memory_space<vmem>> -> memref<128xi32, #tpu.memory_space<vmem>>
      %dma_wait3A_49 = arith.constant 0 : i32
      %dma_wait3A_50 = arith.constant 0 : i32
      %dma_wait3A_51 = tpu.memref_slice %arg2[%dma_wait3A_49, %dma_wait3A_50] : memref<10240x128xf32, #tpu.memory_space<hbm>> -> memref<10240x128xf32, #tpu.memory_space<hbm>>
      tpu.wait_indirect_dma semaphore(%arg12 : memref<!tpu.dma_semaphore, #tpu.memory_space<semaphore_mem>>) src(%dma_wait3A_51 : memref<10240x128xf32, #tpu.memory_space<hbm>>) dst(%arg9 : memref<128x128xf32, #tpu.memory_space<vmem>>)
      %dma_wait3A_52 = arith.constant 0 : i32
      %dma_wait3A_53 = arith.constant 0 : i32
      %dma_wait3A_54 = tpu.memref_slice %arg8[%dma_wait3A_52, %dma_wait3A_53] : memref<2x128xi32, #tpu.memory_space<vmem>> -> memref<1x128xi32, #tpu.memory_space<vmem>>
      %dma_wait3A_55 = tpu.memref_squeeze %dma_wait3A_54 : memref<1x128xi32, #tpu.memory_space<vmem>> -> memref<128xi32, #tpu.memory_space<vmem>>
      %dma_wait3A_56 = arith.constant 0 : i32
      %dma_wait3A_57 = tpu.memref_slice %arg4[%add3A, %add3A_45, %dma_wait3A_56] : memref<32x80x128xi32, #tpu.memory_space<hbm>> -> memref<1x1x128xi32, #tpu.memory_space<hbm>>
      %dma_wait3A_58 = tpu.memref_squeeze %dma_wait3A_57 : memref<1x1x128xi32, #tpu.memory_space<hbm>> -> memref<128xi32, #tpu.memory_space<hbm>>
      %dma_wait3A_59 = arith.constant 0 : i32
      %dma_wait3A_60 = tpu.memref_slice %arg8[%dma_wait3A_52, %dma_wait3A_59] : memref<2x128xi32, #tpu.memory_space<vmem>> -> memref<1x128xi32, #tpu.memory_space<vmem>>
      %dma_wait3A_61 = tpu.memref_squeeze %dma_wait3A_60 : memref<1x128xi32, #tpu.memory_space<vmem>> -> memref<128xi32, #tpu.memory_space<vmem>>
      %dma_wait3A_62 = arith.constant 0 : i32
      %dma_wait3A_63 = tpu.memref_slice %arg4[%add3A, %add3A_45, %dma_wait3A_62] : memref<32x80x128xi32, #tpu.memory_space<hbm>> -> memref<1x1x128xi32, #tpu.memory_space<hbm>>
      %dma_wait3A_64 = tpu.memref_squeeze %dma_wait3A_63 : memref<1x1x128xi32, #tpu.memory_space<hbm>> -> memref<128xi32, #tpu.memory_space<hbm>>
      tpu.wait_dma2 semaphore(%arg16 : memref<!tpu.dma_semaphore, #tpu.memory_space<semaphore_mem>>) src(%dma_wait3A_64 : memref<128xi32, #tpu.memory_space<hbm>>) dst(%dma_wait3A_61 : memref<128xi32, #tpu.memory_space<vmem>>)
      %ge3A = arith.constant 1 : i32
      %ge3A_65 = arith.cmpi sge, %add3A_45, %ge3A : i32
      %convert_element_type3A = arith.extui %ge3A_65 : i1 to i32
      %cond3A = arith.constant 0 : i32
      %cond3A_66 = arith.cmpi ne, %convert_element_type3A, %cond3A : i32
      scf.if %cond3A_66 {
        %dma_wait3A_122 = arith.constant 1 : i32
        %dma_wait3A_123 = arith.constant 0 : i32
        %dma_wait3A_124 = tpu.memref_slice %arg8[%dma_wait3A_122, %dma_wait3A_123] : memref<2x128xi32, #tpu.memory_space<vmem>> -> memref<1x128xi32, #tpu.memory_space<vmem>>
        %dma_wait3A_125 = tpu.memref_squeeze %dma_wait3A_124 : memref<1x128xi32, #tpu.memory_space<vmem>> -> memref<128xi32, #tpu.memory_space<vmem>>
        %dma_wait3A_126 = arith.constant 0 : i32
        %dma_wait3A_127 = arith.constant 0 : i32
        %dma_wait3A_128 = tpu.memref_slice %arg11[%dma_wait3A_126, %dma_wait3A_127] : memref<10240x128xf32, #tpu.memory_space<vmem_shared>> -> memref<10240x128xf32, #tpu.memory_space<vmem_shared>>
        tpu.wait_indirect_dma semaphore(%arg15 : memref<!tpu.dma_semaphore, #tpu.memory_space<semaphore_mem>>) src(%arg10 : memref<128x128xf32, #tpu.memory_space<vmem>>) dst(%dma_wait3A_128 : memref<10240x128xf32, #tpu.memory_space<vmem_shared>>)
      } else {
      }
      %dma_start3A_67 = arith.constant 0 : i32
      %dma_start3A_68 = arith.constant 0 : i32
      %dma_start3A_69 = tpu.memref_slice %arg8[%dma_start3A_67, %dma_start3A_68] : memref<2x128xi32, #tpu.memory_space<vmem>> -> memref<1x128xi32, #tpu.memory_space<vmem>>
      %dma_start3A_70 = tpu.memref_squeeze %dma_start3A_69 : memref<1x128xi32, #tpu.memory_space<vmem>> -> memref<128xi32, #tpu.memory_space<vmem>>
      %dma_start3A_71 = arith.constant 0 : i32
      %dma_start3A_72 = arith.constant 0 : i32
      %dma_start3A_73 = tpu.memref_slice %arg11[%dma_start3A_71, %dma_start3A_72] : memref<10240x128xf32, #tpu.memory_space<vmem_shared>> -> memref<10240x128xf32, #tpu.memory_space<vmem_shared>>
      tpu.enqueue_indirect_dma source(%arg9 : memref<128x128xf32, #tpu.memory_space<vmem>>) target(%dma_start3A_73 : memref<10240x128xf32, #tpu.memory_space<vmem_shared>>) offsets(%dma_start3A_70 : memref<128xi32, #tpu.memory_space<vmem>>) semaphore(%arg14 : memref<!tpu.dma_semaphore, #tpu.memory_space<semaphore_mem>>) {add = true}
      %add3A_74 = arith.constant 1 : i32
      %add3A_75 = arith.addi %add3A_45, %add3A_74 : i32
      %lt3A = arith.constant 80 : i32
      %lt3A_76 = arith.cmpi slt, %add3A_75, %lt3A : i32
      %convert_element_type3A_77 = arith.extui %lt3A_76 : i1 to i32
      %cond3A_78 = arith.constant 0 : i32
      %cond3A_79 = arith.cmpi ne, %convert_element_type3A_77, %cond3A_78 : i32
      scf.if %cond3A_79 {
        %add3A_122 = arith.constant 1 : i32
        %add3A_123 = arith.addi %add3A_45, %add3A_122 : i32
        %dma_start3A_124 = arith.constant 1 : i32
        %dma_start3A_125 = arith.constant 0 : i32
        %dma_start3A_126 = tpu.memref_slice %arg8[%dma_start3A_124, %dma_start3A_125] : memref<2x128xi32, #tpu.memory_space<vmem>> -> memref<1x128xi32, #tpu.memory_space<vmem>>
        %dma_start3A_127 = tpu.memref_squeeze %dma_start3A_126 : memref<1x128xi32, #tpu.memory_space<vmem>> -> memref<128xi32, #tpu.memory_space<vmem>>
        %dma_start3A_128 = arith.constant 0 : i32
        %dma_start3A_129 = tpu.memref_slice %arg4[%add3A, %add3A_123, %dma_start3A_128] : memref<32x80x128xi32, #tpu.memory_space<hbm>> -> memref<1x1x128xi32, #tpu.memory_space<hbm>>
        %dma_start3A_130 = tpu.memref_squeeze %dma_start3A_129 : memref<1x1x128xi32, #tpu.memory_space<hbm>> -> memref<128xi32, #tpu.memory_space<hbm>>
        %dma_start3A_131 = arith.constant 0 : i32
        %dma_start3A_132 = tpu.memref_slice %arg8[%dma_start3A_124, %dma_start3A_131] : memref<2x128xi32, #tpu.memory_space<vmem>> -> memref<1x128xi32, #tpu.memory_space<vmem>>
        %dma_start3A_133 = tpu.memref_squeeze %dma_start3A_132 : memref<1x128xi32, #tpu.memory_space<vmem>> -> memref<128xi32, #tpu.memory_space<vmem>>
        %dma_start3A_134 = arith.constant 0 : i32
        %dma_start3A_135 = tpu.memref_slice %arg4[%add3A, %add3A_123, %dma_start3A_134] : memref<32x80x128xi32, #tpu.memory_space<hbm>> -> memref<1x1x128xi32, #tpu.memory_space<hbm>>
        %dma_start3A_136 = tpu.memref_squeeze %dma_start3A_135 : memref<1x1x128xi32, #tpu.memory_space<hbm>> -> memref<128xi32, #tpu.memory_space<hbm>>
        tpu.enqueue_dma source(%dma_start3A_136 : memref<128xi32, #tpu.memory_space<hbm>>) target(%dma_start3A_133 : memref<128xi32, #tpu.memory_space<vmem>>) target_semaphore(%arg17 : memref<!tpu.dma_semaphore, #tpu.memory_space<semaphore_mem>>)
        %add3A_137 = arith.constant 1 : i32
        %add3A_138 = arith.addi %add3A_45, %add3A_137 : i32
        %dma_start3A_139 = arith.constant 0 : i32
        %dma_start3A_140 = tpu.memref_slice %arg7[%add3A_138, %dma_start3A_139] : memref<80x128xi32, #tpu.memory_space<vmem>> -> memref<1x128xi32, #tpu.memory_space<vmem>>
        %dma_start3A_141 = tpu.memref_squeeze %dma_start3A_140 : memref<1x128xi32, #tpu.memory_space<vmem>> -> memref<128xi32, #tpu.memory_space<vmem>>
        %dma_start3A_142 = arith.constant 0 : i32
        %dma_start3A_143 = arith.constant 0 : i32
        %dma_start3A_144 = tpu.memref_slice %arg2[%dma_start3A_142, %dma_start3A_143] : memref<10240x128xf32, #tpu.memory_space<hbm>> -> memref<10240x128xf32, #tpu.memory_space<hbm>>
        tpu.enqueue_indirect_dma source(%dma_start3A_144 : memref<10240x128xf32, #tpu.memory_space<hbm>>) target(%arg10 : memref<128x128xf32, #tpu.memory_space<vmem>>) offsets(%dma_start3A_141 : memref<128xi32, #tpu.memory_space<vmem>>) semaphore(%arg13 : memref<!tpu.dma_semaphore, #tpu.memory_space<semaphore_mem>>)
      } else {
      }
      %mul3A_80 = arith.constant 2 : i32
      %mul3A_81 = arith.muli %scan3A_41, %mul3A_80 : i32
      %add3A_82 = arith.constant 1 : i32
      %add3A_83 = arith.addi %mul3A_81, %add3A_82 : i32
      %dma_wait3A_84 = arith.constant 0 : i32
      %dma_wait3A_85 = tpu.memref_slice %arg7[%add3A_83, %dma_wait3A_84] : memref<80x128xi32, #tpu.memory_space<vmem>> -> memref<1x128xi32, #tpu.memory_space<vmem>>
      %dma_wait3A_86 = tpu.memref_squeeze %dma_wait3A_85 : memref<1x128xi32, #tpu.memory_space<vmem>> -> memref<128xi32, #tpu.memory_space<vmem>>
      %dma_wait3A_87 = arith.constant 0 : i32
      %dma_wait3A_88 = arith.constant 0 : i32
      %dma_wait3A_89 = tpu.memref_slice %arg2[%dma_wait3A_87, %dma_wait3A_88] : memref<10240x128xf32, #tpu.memory_space<hbm>> -> memref<10240x128xf32, #tpu.memory_space<hbm>>
      tpu.wait_indirect_dma semaphore(%arg13 : memref<!tpu.dma_semaphore, #tpu.memory_space<semaphore_mem>>) src(%dma_wait3A_89 : memref<10240x128xf32, #tpu.memory_space<hbm>>) dst(%arg10 : memref<128x128xf32, #tpu.memory_space<vmem>>)
      %dma_wait3A_90 = arith.constant 1 : i32
      %dma_wait3A_91 = arith.constant 0 : i32
      %dma_wait3A_92 = tpu.memref_slice %arg8[%dma_wait3A_90, %dma_wait3A_91] : memref<2x128xi32, #tpu.memory_space<vmem>> -> memref<1x128xi32, #tpu.memory_space<vmem>>
      %dma_wait3A_93 = tpu.memref_squeeze %dma_wait3A_92 : memref<1x128xi32, #tpu.memory_space<vmem>> -> memref<128xi32, #tpu.memory_space<vmem>>
      %dma_wait3A_94 = arith.constant 0 : i32
      %dma_wait3A_95 = tpu.memref_slice %arg4[%add3A, %add3A_83, %dma_wait3A_94] : memref<32x80x128xi32, #tpu.memory_space<hbm>> -> memref<1x1x128xi32, #tpu.memory_space<hbm>>
      %dma_wait3A_96 = tpu.memref_squeeze %dma_wait3A_95 : memref<1x1x128xi32, #tpu.memory_space<hbm>> -> memref<128xi32, #tpu.memory_space<hbm>>
      %dma_wait3A_97 = arith.constant 0 : i32
      %dma_wait3A_98 = tpu.memref_slice %arg8[%dma_wait3A_90, %dma_wait3A_97] : memref<2x128xi32, #tpu.memory_space<vmem>> -> memref<1x128xi32, #tpu.memory_space<vmem>>
      %dma_wait3A_99 = tpu.memref_squeeze %dma_wait3A_98 : memref<1x128xi32, #tpu.memory_space<vmem>> -> memref<128xi32, #tpu.memory_space<vmem>>
      %dma_wait3A_100 = arith.constant 0 : i32
      %dma_wait3A_101 = tpu.memref_slice %arg4[%add3A, %add3A_83, %dma_wait3A_100] : memref<32x80x128xi32, #tpu.memory_space<hbm>> -> memref<1x1x128xi32, #tpu.memory_space<hbm>>
      %dma_wait3A_102 = tpu.memref_squeeze %dma_wait3A_101 : memref<1x1x128xi32, #tpu.memory_space<hbm>> -> memref<128xi32, #tpu.memory_space<hbm>>
      tpu.wait_dma2 semaphore(%arg17 : memref<!tpu.dma_semaphore, #tpu.memory_space<semaphore_mem>>) src(%dma_wait3A_102 : memref<128xi32, #tpu.memory_space<hbm>>) dst(%dma_wait3A_99 : memref<128xi32, #tpu.memory_space<vmem>>)
      %ge3A_103 = arith.constant 1 : i32
      %ge3A_104 = arith.cmpi sge, %add3A_83, %ge3A_103 : i32
      %convert_element_type3A_105 = arith.extui %ge3A_104 : i1 to i32
      %cond3A_106 = arith.constant 0 : i32
      %cond3A_107 = arith.cmpi ne, %convert_element_type3A_105, %cond3A_106 : i32
      scf.if %cond3A_107 {
        %dma_wait3A_122 = arith.constant 0 : i32
        %dma_wait3A_123 = arith.constant 0 : i32
        %dma_wait3A_124 = tpu.memref_slice %arg8[%dma_wait3A_122, %dma_wait3A_123] : memref<2x128xi32, #tpu.memory_space<vmem>> -> memref<1x128xi32, #tpu.memory_space<vmem>>
        %dma_wait3A_125 = tpu.memref_squeeze %dma_wait3A_124 : memref<1x128xi32, #tpu.memory_space<vmem>> -> memref<128xi32, #tpu.memory_space<vmem>>
        %dma_wait3A_126 = arith.constant 0 : i32
        %dma_wait3A_127 = arith.constant 0 : i32
        %dma_wait3A_128 = tpu.memref_slice %arg11[%dma_wait3A_126, %dma_wait3A_127] : memref<10240x128xf32, #tpu.memory_space<vmem_shared>> -> memref<10240x128xf32, #tpu.memory_space<vmem_shared>>
        tpu.wait_indirect_dma semaphore(%arg14 : memref<!tpu.dma_semaphore, #tpu.memory_space<semaphore_mem>>) src(%arg9 : memref<128x128xf32, #tpu.memory_space<vmem>>) dst(%dma_wait3A_128 : memref<10240x128xf32, #tpu.memory_space<vmem_shared>>)
      } else {
      }
      %dma_start3A_108 = arith.constant 1 : i32
      %dma_start3A_109 = arith.constant 0 : i32
      %dma_start3A_110 = tpu.memref_slice %arg8[%dma_start3A_108, %dma_start3A_109] : memref<2x128xi32, #tpu.memory_space<vmem>> -> memref<1x128xi32, #tpu.memory_space<vmem>>
      %dma_start3A_111 = tpu.memref_squeeze %dma_start3A_110 : memref<1x128xi32, #tpu.memory_space<vmem>> -> memref<128xi32, #tpu.memory_space<vmem>>
      %dma_start3A_112 = arith.constant 0 : i32
      %dma_start3A_113 = arith.constant 0 : i32
      %dma_start3A_114 = tpu.memref_slice %arg11[%dma_start3A_112, %dma_start3A_113] : memref<10240x128xf32, #tpu.memory_space<vmem_shared>> -> memref<10240x128xf32, #tpu.memory_space<vmem_shared>>
      tpu.enqueue_indirect_dma source(%arg10 : memref<128x128xf32, #tpu.memory_space<vmem>>) target(%dma_start3A_114 : memref<10240x128xf32, #tpu.memory_space<vmem_shared>>) offsets(%dma_start3A_111 : memref<128xi32, #tpu.memory_space<vmem>>) semaphore(%arg15 : memref<!tpu.dma_semaphore, #tpu.memory_space<semaphore_mem>>) {add = true}
      %add3A_115 = arith.constant 1 : i32
      %add3A_116 = arith.addi %add3A_83, %add3A_115 : i32
      %lt3A_117 = arith.constant 80 : i32
      %lt3A_118 = arith.cmpi slt, %add3A_116, %lt3A_117 : i32
      %convert_element_type3A_119 = arith.extui %lt3A_118 : i1 to i32
      %cond3A_120 = arith.constant 0 : i32
      %cond3A_121 = arith.cmpi ne, %convert_element_type3A_119, %cond3A_120 : i32
      scf.if %cond3A_121 {
        %add3A_122 = arith.constant 1 : i32
        %add3A_123 = arith.addi %add3A_83, %add3A_122 : i32
        %dma_start3A_124 = arith.constant 0 : i32
        %dma_start3A_125 = arith.constant 0 : i32
        %dma_start3A_126 = tpu.memref_slice %arg8[%dma_start3A_124, %dma_start3A_125] : memref<2x128xi32, #tpu.memory_space<vmem>> -> memref<1x128xi32, #tpu.memory_space<vmem>>
        %dma_start3A_127 = tpu.memref_squeeze %dma_start3A_126 : memref<1x128xi32, #tpu.memory_space<vmem>> -> memref<128xi32, #tpu.memory_space<vmem>>
        %dma_start3A_128 = arith.constant 0 : i32
        %dma_start3A_129 = tpu.memref_slice %arg4[%add3A, %add3A_123, %dma_start3A_128] : memref<32x80x128xi32, #tpu.memory_space<hbm>> -> memref<1x1x128xi32, #tpu.memory_space<hbm>>
        %dma_start3A_130 = tpu.memref_squeeze %dma_start3A_129 : memref<1x1x128xi32, #tpu.memory_space<hbm>> -> memref<128xi32, #tpu.memory_space<hbm>>
        %dma_start3A_131 = arith.constant 0 : i32
        %dma_start3A_132 = tpu.memref_slice %arg8[%dma_start3A_124, %dma_start3A_131] : memref<2x128xi32, #tpu.memory_space<vmem>> -> memref<1x128xi32, #tpu.memory_space<vmem>>
        %dma_start3A_133 = tpu.memref_squeeze %dma_start3A_132 : memref<1x128xi32, #tpu.memory_space<vmem>> -> memref<128xi32, #tpu.memory_space<vmem>>
        %dma_start3A_134 = arith.constant 0 : i32
        %dma_start3A_135 = tpu.memref_slice %arg4[%add3A, %add3A_123, %dma_start3A_134] : memref<32x80x128xi32, #tpu.memory_space<hbm>> -> memref<1x1x128xi32, #tpu.memory_space<hbm>>
        %dma_start3A_136 = tpu.memref_squeeze %dma_start3A_135 : memref<1x1x128xi32, #tpu.memory_space<hbm>> -> memref<128xi32, #tpu.memory_space<hbm>>
        tpu.enqueue_dma source(%dma_start3A_136 : memref<128xi32, #tpu.memory_space<hbm>>) target(%dma_start3A_133 : memref<128xi32, #tpu.memory_space<vmem>>) target_semaphore(%arg16 : memref<!tpu.dma_semaphore, #tpu.memory_space<semaphore_mem>>)
        %add3A_137 = arith.constant 1 : i32
        %add3A_138 = arith.addi %add3A_83, %add3A_137 : i32
        %dma_start3A_139 = arith.constant 0 : i32
        %dma_start3A_140 = tpu.memref_slice %arg7[%add3A_138, %dma_start3A_139] : memref<80x128xi32, #tpu.memory_space<vmem>> -> memref<1x128xi32, #tpu.memory_space<vmem>>
        %dma_start3A_141 = tpu.memref_squeeze %dma_start3A_140 : memref<1x128xi32, #tpu.memory_space<vmem>> -> memref<128xi32, #tpu.memory_space<vmem>>
        %dma_start3A_142 = arith.constant 0 : i32
        %dma_start3A_143 = arith.constant 0 : i32
        %dma_start3A_144 = tpu.memref_slice %arg2[%dma_start3A_142, %dma_start3A_143] : memref<10240x128xf32, #tpu.memory_space<hbm>> -> memref<10240x128xf32, #tpu.memory_space<hbm>>
        tpu.enqueue_indirect_dma source(%dma_start3A_144 : memref<10240x128xf32, #tpu.memory_space<hbm>>) target(%arg9 : memref<128x128xf32, #tpu.memory_space<vmem>>) offsets(%dma_start3A_141 : memref<128xi32, #tpu.memory_space<vmem>>) semaphore(%arg12 : memref<!tpu.dma_semaphore, #tpu.memory_space<semaphore_mem>>)
      } else {
      }
    }
    %scan3A_29 = arith.constant 40 : i32
    %dma_wait3A = arith.constant 1 : i32
    %dma_wait3A_30 = arith.constant 0 : i32
    %dma_wait3A_31 = tpu.memref_slice %arg8[%dma_wait3A, %dma_wait3A_30] : memref<2x128xi32, #tpu.memory_space<vmem>> -> memref<1x128xi32, #tpu.memory_space<vmem>>
    %dma_wait3A_32 = tpu.memref_squeeze %dma_wait3A_31 : memref<1x128xi32, #tpu.memory_space<vmem>> -> memref<128xi32, #tpu.memory_space<vmem>>
    %dma_wait3A_33 = arith.constant 0 : i32
    %dma_wait3A_34 = arith.constant 0 : i32
    %dma_wait3A_35 = tpu.memref_slice %arg11[%dma_wait3A_33, %dma_wait3A_34] : memref<10240x128xf32, #tpu.memory_space<vmem_shared>> -> memref<10240x128xf32, #tpu.memory_space<vmem_shared>>
    tpu.wait_indirect_dma semaphore(%arg15 : memref<!tpu.dma_semaphore, #tpu.memory_space<semaphore_mem>>) src(%arg10 : memref<128x128xf32, #tpu.memory_space<vmem>>) dst(%dma_wait3A_35 : memref<10240x128xf32, #tpu.memory_space<vmem_shared>>)
    %barrier3A_36 = arith.constant 0 : index
    tpu.barrier barrier_id(%barrier3A_36)
    %mul3A_37 = arith.constant 640 : i32
    %mul3A_38 = arith.muli %arg1, %mul3A_37 : i32
    %mul3A_39 = arith.constant 640 : i32
    %mul3A_40 = arith.muli %arg1, %mul3A_39 : i32
    "tpu.region"() ({
      %run_scoped3A = tpu.sem_alloc : memref<!tpu.dma_semaphore, #tpu.memory_space<semaphore_mem>>
      %dma_start3A_41 = arith.constant 0 : i32
      %dma_start3A_42 = tpu.memref_slice %arg6[%arg0, %mul3A_40, %dma_start3A_41] : memref<2x10240x128xf32, #tpu.memory_space<hbm>> -> memref<1x640x128xf32, #tpu.memory_space<hbm>>
      %dma_start3A_43 = tpu.memref_squeeze %dma_start3A_42 : memref<1x640x128xf32, #tpu.memory_space<hbm>> -> memref<640x128xf32, #tpu.memory_space<hbm>>
      %dma_start3A_44 = arith.constant 0 : i32
      %dma_start3A_45 = tpu.memref_slice %arg11[%mul3A_38, %dma_start3A_44] : memref<10240x128xf32, #tpu.memory_space<vmem_shared>> -> memref<640x128xf32, #tpu.memory_space<vmem_shared>>
      tpu.enqueue_dma source(%dma_start3A_45 : memref<640x128xf32, #tpu.memory_space<vmem_shared>>) target(%dma_start3A_43 : memref<640x128xf32, #tpu.memory_space<hbm>>) target_semaphore(%run_scoped3A : memref<!tpu.dma_semaphore, #tpu.memory_space<semaphore_mem>>)
      %dma_wait3A_46 = arith.constant 0 : i32
      %dma_wait3A_47 = tpu.memref_slice %arg6[%arg0, %mul3A_40, %dma_wait3A_46] : memref<2x10240x128xf32, #tpu.memory_space<hbm>> -> memref<1x640x128xf32, #tpu.memory_space<hbm>>
      %dma_wait3A_48 = tpu.memref_squeeze %dma_wait3A_47 : memref<1x640x128xf32, #tpu.memory_space<hbm>> -> memref<640x128xf32, #tpu.memory_space<hbm>>
      %dma_wait3A_49 = arith.constant 0 : i32
      %dma_wait3A_50 = tpu.memref_slice %arg11[%mul3A_38, %dma_wait3A_49] : memref<10240x128xf32, #tpu.memory_space<vmem_shared>> -> memref<640x128xf32, #tpu.memory_space<vmem_shared>>
      tpu.wait_dma2 semaphore(%run_scoped3A : memref<!tpu.dma_semaphore, #tpu.memory_space<semaphore_mem>>) src(%dma_wait3A_50 : memref<640x128xf32, #tpu.memory_space<vmem_shared>>) dst(%dma_wait3A_48 : memref<640x128xf32, #tpu.memory_space<hbm>>)
      tpu.yield
    }) : () -> ()
    return
  }
}

#map = affine_map<(d0, d1) -> (0, 0)>
#map1 = affine_map<(d0, d1) -> (0, 0, 0)>
module attributes {stable_mosaic.version = 14 : i64} {
  func.func @_spmm(%arg0: i32, %arg1: i32, %arg2: memref<10240x128xf32, #tpu.memory_space<hbm>>, %arg3: memref<32x80x128xi32, #tpu.memory_space<hbm>>, %arg4: memref<32x80x128xi32, #tpu.memory_space<hbm>>, %arg5: memref<10240x128xf32, #tpu.memory_space<hbm>>, %arg6: memref<2x10240x128xf32, #tpu.memory_space<hbm>>, %arg7: memref<80x128xi32, #tpu.memory_space<vmem>>, %arg8: memref<2x128xi32, #tpu.memory_space<vmem>>, %arg9: memref<128x128xf32, #tpu.memory_space<vmem>>, %arg10: memref<128x128xf32, #tpu.memory_space<vmem>>, %arg11: memref<10240x128xf32, #tpu.memory_space<vmem_shared>>, %arg12: memref<!tpu.dma_semaphore, #tpu.memory_space<semaphore_mem>>, %arg13: memref<!tpu.dma_semaphore, #tpu.memory_space<semaphore_mem>>, %arg14: memref<!tpu.dma_semaphore, #tpu.memory_space<semaphore_mem>>, %arg15: memref<!tpu.dma_semaphore, #tpu.memory_space<semaphore_mem>>, %arg16: memref<!tpu.dma_semaphore, #tpu.memory_space<semaphore_mem>>, %arg17: memref<!tpu.dma_semaphore, #tpu.memory_space<semaphore_mem>>) attributes {dimension_semantics = [#tpu.dimension_semantics<core_parallel>, #tpu.dimension_semantics<subcore_parallel>], iteration_bounds = array<i64: 2, 16>, scalar_prefetch = 0 : i64, scratch_operands = 11 : i64, tpu.core_type = #tpu.core_type<sc_vector_subcore>, window_params = [{transform_indices = #map}, {transform_indices = #map1}, {transform_indices = #map1}, {transform_indices = #map}, {transform_indices = #map1}]} {
    %mul3A = arith.constant 16 : i32
    %mul3A_0 = arith.muli %arg0, %mul3A : i32
    %add3A = arith.addi %mul3A_0, %arg1 : i32
    %mul3A_1 = arith.constant 640 : i32
    %mul3A_2 = arith.muli %arg1, %mul3A_1 : i32
    %mul3A_3 = arith.constant 640 : i32
    %mul3A_4 = arith.muli %arg1, %mul3A_3 : i32
    "tpu.region"() ({
      %run_scoped3A = tpu.sem_alloc : memref<!tpu.dma_semaphore, #tpu.memory_space<semaphore_mem>>
      %dma_start3A_41 = arith.constant 0 : i32
      %dma_start3A_42 = tpu.memref_slice %arg11[%mul3A_4, %dma_start3A_41] : memref<10240x128xf32, #tpu.memory_space<vmem_shared>> -> memref<640x128xf32, #tpu.memory_space<vmem_shared>>
      %dma_start3A_43 = arith.constant 0 : i32
      %dma_start3A_44 = tpu.memref_slice %arg5[%mul3A_2, %dma_start3A_43] : memref<10240x128xf32, #tpu.memory_space<hbm>> -> memref<640x128xf32, #tpu.memory_space<hbm>>
      tpu.enqueue_dma source(%dma_start3A_44 : memref<640x128xf32, #tpu.memory_space<hbm>>) target(%dma_start3A_42 : memref<640x128xf32, #tpu.memory_space<vmem_shared>>) target_semaphore(%run_scoped3A : memref<!tpu.dma_semaphore, #tpu.memory_space<semaphore_mem>>)
      %dma_wait3A_45 = arith.constant 0 : i32
      %dma_wait3A_46 = tpu.memref_slice %arg11[%mul3A_4, %dma_wait3A_45] : memref<10240x128xf32, #tpu.memory_space<vmem_shared>> -> memref<640x128xf32, #tpu.memory_space<vmem_shared>>
      %dma_wait3A_47 = arith.constant 0 : i32
      %dma_wait3A_48 = tpu.memref_slice %arg5[%mul3A_2, %dma_wait3A_47] : memref<10240x128xf32, #tpu.memory_space<hbm>> -> memref<640x128xf32, #tpu.memory_space<hbm>>
      tpu.wait_dma2 semaphore(%run_scoped3A : memref<!tpu.dma_semaphore, #tpu.memory_space<semaphore_mem>>) src(%dma_wait3A_48 : memref<640x128xf32, #tpu.memory_space<hbm>>) dst(%dma_wait3A_46 : memref<640x128xf32, #tpu.memory_space<vmem_shared>>)
      tpu.yield
    }) : () -> ()
    "tpu.region"() ({
      %run_scoped3A = tpu.sem_alloc : memref<!tpu.dma_semaphore, #tpu.memory_space<semaphore_mem>>
      %dma_start3A_41 = arith.constant 0 : i32
      %dma_start3A_42 = arith.constant 0 : i32
      %dma_start3A_43 = tpu.memref_slice %arg3[%add3A, %dma_start3A_41, %dma_start3A_42] : memref<32x80x128xi32, #tpu.memory_space<hbm>> -> memref<1x80x128xi32, #tpu.memory_space<hbm>>
      %dma_start3A_44 = tpu.memref_squeeze %dma_start3A_43 : memref<1x80x128xi32, #tpu.memory_space<hbm>> -> memref<80x128xi32, #tpu.memory_space<hbm>>
      %dma_start3A_45 = arith.constant 0 : i32
      %dma_start3A_46 = arith.constant 0 : i32
      %dma_start3A_47 = tpu.memref_slice %arg3[%add3A, %dma_start3A_45, %dma_start3A_46] : memref<32x80x128xi32, #tpu.memory_space<hbm>> -> memref<1x80x128xi32, #tpu.memory_space<hbm>>
      %dma_start3A_48 = tpu.memref_squeeze %dma_start3A_47 : memref<1x80x128xi32, #tpu.memory_space<hbm>> -> memref<80x128xi32, #tpu.memory_space<hbm>>
      tpu.enqueue_dma source(%dma_start3A_48 : memref<80x128xi32, #tpu.memory_space<hbm>>) target(%arg7 : memref<80x128xi32, #tpu.memory_space<vmem>>) target_semaphore(%run_scoped3A : memref<!tpu.dma_semaphore, #tpu.memory_space<semaphore_mem>>)
      %dma_wait3A_49 = arith.constant 0 : i32
      %dma_wait3A_50 = arith.constant 0 : i32
      %dma_wait3A_51 = tpu.memref_slice %arg3[%add3A, %dma_wait3A_49, %dma_wait3A_50] : memref<32x80x128xi32, #tpu.memory_space<hbm>> -> memref<1x80x128xi32, #tpu.memory_space<hbm>>
      %dma_wait3A_52 = tpu.memref_squeeze %dma_wait3A_51 : memref<1x80x128xi32, #tpu.memory_space<hbm>> -> memref<80x128xi32, #tpu.memory_space<hbm>>
      %dma_wait3A_53 = arith.constant 0 : i32
      %dma_wait3A_54 = arith.constant 0 : i32
      %dma_wait3A_55 = tpu.memref_slice %arg3[%add3A, %dma_wait3A_53, %dma_wait3A_54] : memref<32x80x128xi32, #tpu.memory_space<hbm>> -> memref<1x80x128xi32, #tpu.memory_space<hbm>>
      %dma_wait3A_56 = tpu.memref_squeeze %dma_wait3A_55 : memref<1x80x128xi32, #tpu.memory_space<hbm>> -> memref<80x128xi32, #tpu.memory_space<hbm>>
      tpu.wait_dma2 semaphore(%run_scoped3A : memref<!tpu.dma_semaphore, #tpu.memory_space<semaphore_mem>>) src(%dma_wait3A_56 : memref<80x128xi32, #tpu.memory_space<hbm>>) dst(%arg7 : memref<80x128xi32, #tpu.memory_space<vmem>>)
      tpu.yield
    }) : () -> ()
    %dma_start3A = arith.constant 0 : i32
    %dma_start3A_5 = arith.constant 0 : i32
    %dma_start3A_6 = arith.constant 0 : i32
    %dma_start3A_7 = tpu.memref_slice %arg8[%dma_start3A_5, %dma_start3A_6] : memref<2x128xi32, #tpu.memory_space<vmem>> -> memref<1x128xi32, #tpu.memory_space<vmem>>
    %dma_start3A_8 = tpu.memref_squeeze %dma_start3A_7 : memref<1x128xi32, #tpu.memory_space<vmem>> -> memref<128xi32, #tpu.memory_space<vmem>>
    %dma_start3A_9 = arith.constant 0 : i32
    %dma_start3A_10 = tpu.memref_slice %arg4[%add3A, %dma_start3A, %dma_start3A_9] : memref<32x80x128xi32, #tpu.memory_space<hbm>> -> memref<1x1x128xi32, #tpu.memory_space<hbm>>
    %dma_start3A_11 = tpu.memref_squeeze %dma_start3A_10 : memref<1x1x128xi32, #tpu.memory_space<hbm>> -> memref<128xi32, #tpu.memory_space<hbm>>
    %dma_start3A_12 = arith.constant 0 : i32
    %dma_start3A_13 = tpu.memref_slice %arg8[%dma_start3A_5, %dma_start3A_12] : memref<2x128xi32, #tpu.memory_space<vmem>> -> memref<1x128xi32, #tpu.memory_space<vmem>>
    %dma_start3A_14 = tpu.memref_squeeze %dma_start3A_13 : memref<1x128xi32, #tpu.memory_space<vmem>> -> memref<128xi32, #tpu.memory_space<vmem>>
    %dma_start3A_15 = arith.constant 0 : i32
    %dma_start3A_16 = tpu.memref_slice %arg4[%add3A, %dma_start3A, %dma_start3A_15] : memref<32x80x128xi32, #tpu.memory_space<hbm>> -> memref<1x1x128xi32, #tpu.memory_space<hbm>>
    %dma_start3A_17 = tpu.memref_squeeze %dma_start3A_16 : memref<1x1x128xi32, #tpu.memory_space<hbm>> -> memref<128xi32, #tpu.memory_space<hbm>>
    tpu.enqueue_dma source(%dma_start3A_17 : memref<128xi32, #tpu.memory_space<hbm>>) target(%dma_start3A_14 : memref<128xi32, #tpu.memory_space<vmem>>) target_semaphore(%arg16 : memref<!tpu.dma_semaphore, #tpu.memory_space<semaphore_mem>>)
    %dma_start3A_18 = arith.constant 0 : i32
    %dma_start3A_19 = arith.constant 0 : i32
    %dma_start3A_20 = tpu.memref_slice %arg7[%dma_start3A_18, %dma_start3A_19] : memref<80x128xi32, #tpu.memory_space<vmem>> -> memref<1x128xi32, #tpu.memory_space<vmem>>
    %dma_start3A_21 = tpu.memref_squeeze %dma_start3A_20 : memref<1x128xi32, #tpu.memory_space<vmem>> -> memref<128xi32, #tpu.memory_space<vmem>>
    %dma_start3A_22 = arith.constant 0 : i32
    %dma_start3A_23 = arith.constant 0 : i32
    %dma_start3A_24 = tpu.memref_slice %arg2[%dma_start3A_22, %dma_start3A_23] : memref<10240x128xf32, #tpu.memory_space<hbm>> -> memref<10240x128xf32, #tpu.memory_space<hbm>>
    tpu.enqueue_indirect_dma source(%dma_start3A_24 : memref<10240x128xf32, #tpu.memory_space<hbm>>) target(%arg9 : memref<128x128xf32, #tpu.memory_space<vmem>>) offsets(%dma_start3A_21 : memref<128xi32, #tpu.memory_space<vmem>>) semaphore(%arg12 : memref<!tpu.dma_semaphore, #tpu.memory_space<semaphore_mem>>)
    %barrier3A = arith.constant 0 : index
    tpu.barrier barrier_id(%barrier3A)
    %scan3A = arith.constant 0 : i32
    %scan3A_25 = arith.constant 0 : i32
    %scan3A_26 = arith.constant 40 : i32
    %scan3A_27 = arith.addi %scan3A_25, %scan3A_26 : i32
    %scan3A_28 = arith.constant 1 : i32
    scf.for %scan3A_41 = %scan3A_25 to %scan3A_27 step %scan3A_28  : i32 {
      %mul3A_42 = arith.constant 2 : i32
      %mul3A_43 = arith.muli %scan3A_41, %mul3A_42 : i32
      %add3A_44 = arith.constant 0 : i32
      %add3A_45 = arith.addi %mul3A_43, %add3A_44 : i32
      %dma_wait3A_46 = arith.constant 0 : i32
      %dma_wait3A_47 = tpu.memref_slice %arg7[%add3A_45, %dma_wait3A_46] : memref<80x128xi32, #tpu.memory_space<vmem>> -> memref<1x128xi32, #tpu.memory_space<vmem>>
      %dma_wait3A_48 = tpu.memref_squeeze %dma_wait3A_47 : memref<1x128xi32, #tpu.memory_space<vmem>> -> memref<128xi32, #tpu.memory_space<vmem>>
      %dma_wait3A_49 = arith.constant 0 : i32
      %dma_wait3A_50 = arith.constant 0 : i32
      %dma_wait3A_51 = tpu.memref_slice %arg2[%dma_wait3A_49, %dma_wait3A_50] : memref<10240x128xf32, #tpu.memory_space<hbm>> -> memref<10240x128xf32, #tpu.memory_space<hbm>>
      tpu.wait_indirect_dma semaphore(%arg12 : memref<!tpu.dma_semaphore, #tpu.memory_space<semaphore_mem>>) src(%dma_wait3A_51 : memref<10240x128xf32, #tpu.memory_space<hbm>>) dst(%arg9 : memref<128x128xf32, #tpu.memory_space<vmem>>)
      %dma_wait3A_52 = arith.constant 0 : i32
      %dma_wait3A_53 = arith.constant 0 : i32
      %dma_wait3A_54 = tpu.memref_slice %arg8[%dma_wait3A_52, %dma_wait3A_53] : memref<2x128xi32, #tpu.memory_space<vmem>> -> memref<1x128xi32, #tpu.memory_space<vmem>>
      %dma_wait3A_55 = tpu.memref_squeeze %dma_wait3A_54 : memref<1x128xi32, #tpu.memory_space<vmem>> -> memref<128xi32, #tpu.memory_space<vmem>>
      %dma_wait3A_56 = arith.constant 0 : i32
      %dma_wait3A_57 = tpu.memref_slice %arg4[%add3A, %add3A_45, %dma_wait3A_56] : memref<32x80x128xi32, #tpu.memory_space<hbm>> -> memref<1x1x128xi32, #tpu.memory_space<hbm>>
      %dma_wait3A_58 = tpu.memref_squeeze %dma_wait3A_57 : memref<1x1x128xi32, #tpu.memory_space<hbm>> -> memref<128xi32, #tpu.memory_space<hbm>>
      %dma_wait3A_59 = arith.constant 0 : i32
      %dma_wait3A_60 = tpu.memref_slice %arg8[%dma_wait3A_52, %dma_wait3A_59] : memref<2x128xi32, #tpu.memory_space<vmem>> -> memref<1x128xi32, #tpu.memory_space<vmem>>
      %dma_wait3A_61 = tpu.memref_squeeze %dma_wait3A_60 : memref<1x128xi32, #tpu.memory_space<vmem>> -> memref<128xi32, #tpu.memory_space<vmem>>
      %dma_wait3A_62 = arith.constant 0 : i32
      %dma_wait3A_63 = tpu.memref_slice %arg4[%add3A, %add3A_45, %dma_wait3A_62] : memref<32x80x128xi32, #tpu.memory_space<hbm>> -> memref<1x1x128xi32, #tpu.memory_space<hbm>>
      %dma_wait3A_64 = tpu.memref_squeeze %dma_wait3A_63 : memref<1x1x128xi32, #tpu.memory_space<hbm>> -> memref<128xi32, #tpu.memory_space<hbm>>
      tpu.wait_dma2 semaphore(%arg16 : memref<!tpu.dma_semaphore, #tpu.memory_space<semaphore_mem>>) src(%dma_wait3A_64 : memref<128xi32, #tpu.memory_space<hbm>>) dst(%dma_wait3A_61 : memref<128xi32, #tpu.memory_space<vmem>>)
      %ge3A = arith.constant 1 : i32
      %ge3A_65 = arith.cmpi sge, %add3A_45, %ge3A : i32
      %convert_element_type3A = arith.extui %ge3A_65 : i1 to i32
      %cond3A = arith.constant 0 : i32
      %cond3A_66 = arith.cmpi ne, %convert_element_type3A, %cond3A : i32
      scf.if %cond3A_66 {
        %dma_wait3A_122 = arith.constant 1 : i32
        %dma_wait3A_123 = arith.constant 0 : i32
        %dma_wait3A_124 = tpu.memref_slice %arg8[%dma_wait3A_122, %dma_wait3A_123] : memref<2x128xi32, #tpu.memory_space<vmem>> -> memref<1x128xi32, #tpu.memory_space<vmem>>
        %dma_wait3A_125 = tpu.memref_squeeze %dma_wait3A_124 : memref<1x128xi32, #tpu.memory_space<vmem>> -> memref<128xi32, #tpu.memory_space<vmem>>
        %dma_wait3A_126 = arith.constant 0 : i32
        %dma_wait3A_127 = arith.constant 0 : i32
        %dma_wait3A_128 = tpu.memref_slice %arg11[%dma_wait3A_126, %dma_wait3A_127] : memref<10240x128xf32, #tpu.memory_space<vmem_shared>> -> memref<10240x128xf32, #tpu.memory_space<vmem_shared>>
        tpu.wait_indirect_dma semaphore(%arg15 : memref<!tpu.dma_semaphore, #tpu.memory_space<semaphore_mem>>) src(%arg10 : memref<128x128xf32, #tpu.memory_space<vmem>>) dst(%dma_wait3A_128 : memref<10240x128xf32, #tpu.memory_space<vmem_shared>>)
      } else {
      }
      %dma_start3A_67 = arith.constant 0 : i32
      %dma_start3A_68 = arith.constant 0 : i32
      %dma_start3A_69 = tpu.memref_slice %arg8[%dma_start3A_67, %dma_start3A_68] : memref<2x128xi32, #tpu.memory_space<vmem>> -> memref<1x128xi32, #tpu.memory_space<vmem>>
      %dma_start3A_70 = tpu.memref_squeeze %dma_start3A_69 : memref<1x128xi32, #tpu.memory_space<vmem>> -> memref<128xi32, #tpu.memory_space<vmem>>
      %dma_start3A_71 = arith.constant 0 : i32
      %dma_start3A_72 = arith.constant 0 : i32
      %dma_start3A_73 = tpu.memref_slice %arg11[%dma_start3A_71, %dma_start3A_72] : memref<10240x128xf32, #tpu.memory_space<vmem_shared>> -> memref<10240x128xf32, #tpu.memory_space<vmem_shared>>
      tpu.enqueue_indirect_dma source(%arg9 : memref<128x128xf32, #tpu.memory_space<vmem>>) target(%dma_start3A_73 : memref<10240x128xf32, #tpu.memory_space<vmem_shared>>) offsets(%dma_start3A_70 : memref<128xi32, #tpu.memory_space<vmem>>) semaphore(%arg14 : memref<!tpu.dma_semaphore, #tpu.memory_space<semaphore_mem>>) {add = true}
      %add3A_74 = arith.constant 1 : i32
      %add3A_75 = arith.addi %add3A_45, %add3A_74 : i32
      %lt3A = arith.constant 80 : i32
      %lt3A_76 = arith.cmpi slt, %add3A_75, %lt3A : i32
      %convert_element_type3A_77 = arith.extui %lt3A_76 : i1 to i32
      %cond3A_78 = arith.constant 0 : i32
      %cond3A_79 = arith.cmpi ne, %convert_element_type3A_77, %cond3A_78 : i32
      scf.if %cond3A_79 {
        %add3A_122 = arith.constant 1 : i32
        %add3A_123 = arith.addi %add3A_45, %add3A_122 : i32
        %dma_start3A_124 = arith.constant 1 : i32
        %dma_start3A_125 = arith.constant 0 : i32
        %dma_start3A_126 = tpu.memref_slice %arg8[%dma_start3A_124, %dma_start3A_125] : memref<2x128xi32, #tpu.memory_space<vmem>> -> memref<1x128xi32, #tpu.memory_space<vmem>>
        %dma_start3A_127 = tpu.memref_squeeze %dma_start3A_126 : memref<1x128xi32, #tpu.memory_space<vmem>> -> memref<128xi32, #tpu.memory_space<vmem>>
        %dma_start3A_128 = arith.constant 0 : i32
        %dma_start3A_129 = tpu.memref_slice %arg4[%add3A, %add3A_123, %dma_start3A_128] : memref<32x80x128xi32, #tpu.memory_space<hbm>> -> memref<1x1x128xi32, #tpu.memory_space<hbm>>
        %dma_start3A_130 = tpu.memref_squeeze %dma_start3A_129 : memref<1x1x128xi32, #tpu.memory_space<hbm>> -> memref<128xi32, #tpu.memory_space<hbm>>
        %dma_start3A_131 = arith.constant 0 : i32
        %dma_start3A_132 = tpu.memref_slice %arg8[%dma_start3A_124, %dma_start3A_131] : memref<2x128xi32, #tpu.memory_space<vmem>> -> memref<1x128xi32, #tpu.memory_space<vmem>>
        %dma_start3A_133 = tpu.memref_squeeze %dma_start3A_132 : memref<1x128xi32, #tpu.memory_space<vmem>> -> memref<128xi32, #tpu.memory_space<vmem>>
        %dma_start3A_134 = arith.constant 0 : i32
        %dma_start3A_135 = tpu.memref_slice %arg4[%add3A, %add3A_123, %dma_start3A_134] : memref<32x80x128xi32, #tpu.memory_space<hbm>> -> memref<1x1x128xi32, #tpu.memory_space<hbm>>
        %dma_start3A_136 = tpu.memref_squeeze %dma_start3A_135 : memref<1x1x128xi32, #tpu.memory_space<hbm>> -> memref<128xi32, #tpu.memory_space<hbm>>
        tpu.enqueue_dma source(%dma_start3A_136 : memref<128xi32, #tpu.memory_space<hbm>>) target(%dma_start3A_133 : memref<128xi32, #tpu.memory_space<vmem>>) target_semaphore(%arg17 : memref<!tpu.dma_semaphore, #tpu.memory_space<semaphore_mem>>)
        %add3A_137 = arith.constant 1 : i32
        %add3A_138 = arith.addi %add3A_45, %add3A_137 : i32
        %dma_start3A_139 = arith.constant 0 : i32
        %dma_start3A_140 = tpu.memref_slice %arg7[%add3A_138, %dma_start3A_139] : memref<80x128xi32, #tpu.memory_space<vmem>> -> memref<1x128xi32, #tpu.memory_space<vmem>>
        %dma_start3A_141 = tpu.memref_squeeze %dma_start3A_140 : memref<1x128xi32, #tpu.memory_space<vmem>> -> memref<128xi32, #tpu.memory_space<vmem>>
        %dma_start3A_142 = arith.constant 0 : i32
        %dma_start3A_143 = arith.constant 0 : i32
        %dma_start3A_144 = tpu.memref_slice %arg2[%dma_start3A_142, %dma_start3A_143] : memref<10240x128xf32, #tpu.memory_space<hbm>> -> memref<10240x128xf32, #tpu.memory_space<hbm>>
        tpu.enqueue_indirect_dma source(%dma_start3A_144 : memref<10240x128xf32, #tpu.memory_space<hbm>>) target(%arg10 : memref<128x128xf32, #tpu.memory_space<vmem>>) offsets(%dma_start3A_141 : memref<128xi32, #tpu.memory_space<vmem>>) semaphore(%arg13 : memref<!tpu.dma_semaphore, #tpu.memory_space<semaphore_mem>>)
      } else {
      }
      %mul3A_80 = arith.constant 2 : i32
      %mul3A_81 = arith.muli %scan3A_41, %mul3A_80 : i32
      %add3A_82 = arith.constant 1 : i32
      %add3A_83 = arith.addi %mul3A_81, %add3A_82 : i32
      %dma_wait3A_84 = arith.constant 0 : i32
      %dma_wait3A_85 = tpu.memref_slice %arg7[%add3A_83, %dma_wait3A_84] : memref<80x128xi32, #tpu.memory_space<vmem>> -> memref<1x128xi32, #tpu.memory_space<vmem>>
      %dma_wait3A_86 = tpu.memref_squeeze %dma_wait3A_85 : memref<1x128xi32, #tpu.memory_space<vmem>> -> memref<128xi32, #tpu.memory_space<vmem>>
      %dma_wait3A_87 = arith.constant 0 : i32
      %dma_wait3A_88 = arith.constant 0 : i32
      %dma_wait3A_89 = tpu.memref_slice %arg2[%dma_wait3A_87, %dma_wait3A_88] : memref<10240x128xf32, #tpu.memory_space<hbm>> -> memref<10240x128xf32, #tpu.memory_space<hbm>>
      tpu.wait_indirect_dma semaphore(%arg13 : memref<!tpu.dma_semaphore, #tpu.memory_space<semaphore_mem>>) src(%dma_wait3A_89 : memref<10240x128xf32, #tpu.memory_space<hbm>>) dst(%arg10 : memref<128x128xf32, #tpu.memory_space<vmem>>)
      %dma_wait3A_90 = arith.constant 1 : i32
      %dma_wait3A_91 = arith.constant 0 : i32
      %dma_wait3A_92 = tpu.memref_slice %arg8[%dma_wait3A_90, %dma_wait3A_91] : memref<2x128xi32, #tpu.memory_space<vmem>> -> memref<1x128xi32, #tpu.memory_space<vmem>>
      %dma_wait3A_93 = tpu.memref_squeeze %dma_wait3A_92 : memref<1x128xi32, #tpu.memory_space<vmem>> -> memref<128xi32, #tpu.memory_space<vmem>>
      %dma_wait3A_94 = arith.constant 0 : i32
      %dma_wait3A_95 = tpu.memref_slice %arg4[%add3A, %add3A_83, %dma_wait3A_94] : memref<32x80x128xi32, #tpu.memory_space<hbm>> -> memref<1x1x128xi32, #tpu.memory_space<hbm>>
      %dma_wait3A_96 = tpu.memref_squeeze %dma_wait3A_95 : memref<1x1x128xi32, #tpu.memory_space<hbm>> -> memref<128xi32, #tpu.memory_space<hbm>>
      %dma_wait3A_97 = arith.constant 0 : i32
      %dma_wait3A_98 = tpu.memref_slice %arg8[%dma_wait3A_90, %dma_wait3A_97] : memref<2x128xi32, #tpu.memory_space<vmem>> -> memref<1x128xi32, #tpu.memory_space<vmem>>
      %dma_wait3A_99 = tpu.memref_squeeze %dma_wait3A_98 : memref<1x128xi32, #tpu.memory_space<vmem>> -> memref<128xi32, #tpu.memory_space<vmem>>
      %dma_wait3A_100 = arith.constant 0 : i32
      %dma_wait3A_101 = tpu.memref_slice %arg4[%add3A, %add3A_83, %dma_wait3A_100] : memref<32x80x128xi32, #tpu.memory_space<hbm>> -> memref<1x1x128xi32, #tpu.memory_space<hbm>>
      %dma_wait3A_102 = tpu.memref_squeeze %dma_wait3A_101 : memref<1x1x128xi32, #tpu.memory_space<hbm>> -> memref<128xi32, #tpu.memory_space<hbm>>
      tpu.wait_dma2 semaphore(%arg17 : memref<!tpu.dma_semaphore, #tpu.memory_space<semaphore_mem>>) src(%dma_wait3A_102 : memref<128xi32, #tpu.memory_space<hbm>>) dst(%dma_wait3A_99 : memref<128xi32, #tpu.memory_space<vmem>>)
      %ge3A_103 = arith.constant 1 : i32
      %ge3A_104 = arith.cmpi sge, %add3A_83, %ge3A_103 : i32
      %convert_element_type3A_105 = arith.extui %ge3A_104 : i1 to i32
      %cond3A_106 = arith.constant 0 : i32
      %cond3A_107 = arith.cmpi ne, %convert_element_type3A_105, %cond3A_106 : i32
      scf.if %cond3A_107 {
        %dma_wait3A_122 = arith.constant 0 : i32
        %dma_wait3A_123 = arith.constant 0 : i32
        %dma_wait3A_124 = tpu.memref_slice %arg8[%dma_wait3A_122, %dma_wait3A_123] : memref<2x128xi32, #tpu.memory_space<vmem>> -> memref<1x128xi32, #tpu.memory_space<vmem>>
        %dma_wait3A_125 = tpu.memref_squeeze %dma_wait3A_124 : memref<1x128xi32, #tpu.memory_space<vmem>> -> memref<128xi32, #tpu.memory_space<vmem>>
        %dma_wait3A_126 = arith.constant 0 : i32
        %dma_wait3A_127 = arith.constant 0 : i32
        %dma_wait3A_128 = tpu.memref_slice %arg11[%dma_wait3A_126, %dma_wait3A_127] : memref<10240x128xf32, #tpu.memory_space<vmem_shared>> -> memref<10240x128xf32, #tpu.memory_space<vmem_shared>>
        tpu.wait_indirect_dma semaphore(%arg14 : memref<!tpu.dma_semaphore, #tpu.memory_space<semaphore_mem>>) src(%arg9 : memref<128x128xf32, #tpu.memory_space<vmem>>) dst(%dma_wait3A_128 : memref<10240x128xf32, #tpu.memory_space<vmem_shared>>)
      } else {
      }
      %dma_start3A_108 = arith.constant 1 : i32
      %dma_start3A_109 = arith.constant 0 : i32
      %dma_start3A_110 = tpu.memref_slice %arg8[%dma_start3A_108, %dma_start3A_109] : memref<2x128xi32, #tpu.memory_space<vmem>> -> memref<1x128xi32, #tpu.memory_space<vmem>>
      %dma_start3A_111 = tpu.memref_squeeze %dma_start3A_110 : memref<1x128xi32, #tpu.memory_space<vmem>> -> memref<128xi32, #tpu.memory_space<vmem>>
      %dma_start3A_112 = arith.constant 0 : i32
      %dma_start3A_113 = arith.constant 0 : i32
      %dma_start3A_114 = tpu.memref_slice %arg11[%dma_start3A_112, %dma_start3A_113] : memref<10240x128xf32, #tpu.memory_space<vmem_shared>> -> memref<10240x128xf32, #tpu.memory_space<vmem_shared>>
      tpu.enqueue_indirect_dma source(%arg10 : memref<128x128xf32, #tpu.memory_space<vmem>>) target(%dma_start3A_114 : memref<10240x128xf32, #tpu.memory_space<vmem_shared>>) offsets(%dma_start3A_111 : memref<128xi32, #tpu.memory_space<vmem>>) semaphore(%arg15 : memref<!tpu.dma_semaphore, #tpu.memory_space<semaphore_mem>>) {add = true}
      %add3A_115 = arith.constant 1 : i32
      %add3A_116 = arith.addi %add3A_83, %add3A_115 : i32
      %lt3A_117 = arith.constant 80 : i32
      %lt3A_118 = arith.cmpi slt, %add3A_116, %lt3A_117 : i32
      %convert_element_type3A_119 = arith.extui %lt3A_118 : i1 to i32
      %cond3A_120 = arith.constant 0 : i32
      %cond3A_121 = arith.cmpi ne, %convert_element_type3A_119, %cond3A_120 : i32
      scf.if %cond3A_121 {
        %add3A_122 = arith.constant 1 : i32
        %add3A_123 = arith.addi %add3A_83, %add3A_122 : i32
        %dma_start3A_124 = arith.constant 0 : i32
        %dma_start3A_125 = arith.constant 0 : i32
        %dma_start3A_126 = tpu.memref_slice %arg8[%dma_start3A_124, %dma_start3A_125] : memref<2x128xi32, #tpu.memory_space<vmem>> -> memref<1x128xi32, #tpu.memory_space<vmem>>
        %dma_start3A_127 = tpu.memref_squeeze %dma_start3A_126 : memref<1x128xi32, #tpu.memory_space<vmem>> -> memref<128xi32, #tpu.memory_space<vmem>>
        %dma_start3A_128 = arith.constant 0 : i32
        %dma_start3A_129 = tpu.memref_slice %arg4[%add3A, %add3A_123, %dma_start3A_128] : memref<32x80x128xi32, #tpu.memory_space<hbm>> -> memref<1x1x128xi32, #tpu.memory_space<hbm>>
        %dma_start3A_130 = tpu.memref_squeeze %dma_start3A_129 : memref<1x1x128xi32, #tpu.memory_space<hbm>> -> memref<128xi32, #tpu.memory_space<hbm>>
        %dma_start3A_131 = arith.constant 0 : i32
        %dma_start3A_132 = tpu.memref_slice %arg8[%dma_start3A_124, %dma_start3A_131] : memref<2x128xi32, #tpu.memory_space<vmem>> -> memref<1x128xi32, #tpu.memory_space<vmem>>
        %dma_start3A_133 = tpu.memref_squeeze %dma_start3A_132 : memref<1x128xi32, #tpu.memory_space<vmem>> -> memref<128xi32, #tpu.memory_space<vmem>>
        %dma_start3A_134 = arith.constant 0 : i32
        %dma_start3A_135 = tpu.memref_slice %arg4[%add3A, %add3A_123, %dma_start3A_134] : memref<32x80x128xi32, #tpu.memory_space<hbm>> -> memref<1x1x128xi32, #tpu.memory_space<hbm>>
        %dma_start3A_136 = tpu.memref_squeeze %dma_start3A_135 : memref<1x1x128xi32, #tpu.memory_space<hbm>> -> memref<128xi32, #tpu.memory_space<hbm>>
        tpu.enqueue_dma source(%dma_start3A_136 : memref<128xi32, #tpu.memory_space<hbm>>) target(%dma_start3A_133 : memref<128xi32, #tpu.memory_space<vmem>>) target_semaphore(%arg16 : memref<!tpu.dma_semaphore, #tpu.memory_space<semaphore_mem>>)
        %add3A_137 = arith.constant 1 : i32
        %add3A_138 = arith.addi %add3A_83, %add3A_137 : i32
        %dma_start3A_139 = arith.constant 0 : i32
        %dma_start3A_140 = tpu.memref_slice %arg7[%add3A_138, %dma_start3A_139] : memref<80x128xi32, #tpu.memory_space<vmem>> -> memref<1x128xi32, #tpu.memory_space<vmem>>
        %dma_start3A_141 = tpu.memref_squeeze %dma_start3A_140 : memref<1x128xi32, #tpu.memory_space<vmem>> -> memref<128xi32, #tpu.memory_space<vmem>>
        %dma_start3A_142 = arith.constant 0 : i32
        %dma_start3A_143 = arith.constant 0 : i32
        %dma_start3A_144 = tpu.memref_slice %arg2[%dma_start3A_142, %dma_start3A_143] : memref<10240x128xf32, #tpu.memory_space<hbm>> -> memref<10240x128xf32, #tpu.memory_space<hbm>>
        tpu.enqueue_indirect_dma source(%dma_start3A_144 : memref<10240x128xf32, #tpu.memory_space<hbm>>) target(%arg9 : memref<128x128xf32, #tpu.memory_space<vmem>>) offsets(%dma_start3A_141 : memref<128xi32, #tpu.memory_space<vmem>>) semaphore(%arg12 : memref<!tpu.dma_semaphore, #tpu.memory_space<semaphore_mem>>)
      } else {
      }
    }
    %scan3A_29 = arith.constant 40 : i32
    %dma_wait3A = arith.constant 1 : i32
    %dma_wait3A_30 = arith.constant 0 : i32
    %dma_wait3A_31 = tpu.memref_slice %arg8[%dma_wait3A, %dma_wait3A_30] : memref<2x128xi32, #tpu.memory_space<vmem>> -> memref<1x128xi32, #tpu.memory_space<vmem>>
    %dma_wait3A_32 = tpu.memref_squeeze %dma_wait3A_31 : memref<1x128xi32, #tpu.memory_space<vmem>> -> memref<128xi32, #tpu.memory_space<vmem>>
    %dma_wait3A_33 = arith.constant 0 : i32
    %dma_wait3A_34 = arith.constant 0 : i32
    %dma_wait3A_35 = tpu.memref_slice %arg11[%dma_wait3A_33, %dma_wait3A_34] : memref<10240x128xf32, #tpu.memory_space<vmem_shared>> -> memref<10240x128xf32, #tpu.memory_space<vmem_shared>>
    tpu.wait_indirect_dma semaphore(%arg15 : memref<!tpu.dma_semaphore, #tpu.memory_space<semaphore_mem>>) src(%arg10 : memref<128x128xf32, #tpu.memory_space<vmem>>) dst(%dma_wait3A_35 : memref<10240x128xf32, #tpu.memory_space<vmem_shared>>)
    %barrier3A_36 = arith.constant 0 : index
    tpu.barrier barrier_id(%barrier3A_36)
    %mul3A_37 = arith.constant 640 : i32
    %mul3A_38 = arith.muli %arg1, %mul3A_37 : i32
    %mul3A_39 = arith.constant 640 : i32
    %mul3A_40 = arith.muli %arg1, %mul3A_39 : i32
    "tpu.region"() ({
      %run_scoped3A = tpu.sem_alloc : memref<!tpu.dma_semaphore, #tpu.memory_space<semaphore_mem>>
      %dma_start3A_41 = arith.constant 0 : i32
      %dma_start3A_42 = tpu.memref_slice %arg6[%arg0, %mul3A_40, %dma_start3A_41] : memref<2x10240x128xf32, #tpu.memory_space<hbm>> -> memref<1x640x128xf32, #tpu.memory_space<hbm>>
      %dma_start3A_43 = tpu.memref_squeeze %dma_start3A_42 : memref<1x640x128xf32, #tpu.memory_space<hbm>> -> memref<640x128xf32, #tpu.memory_space<hbm>>
      %dma_start3A_44 = arith.constant 0 : i32
      %dma_start3A_45 = tpu.memref_slice %arg11[%mul3A_38, %dma_start3A_44] : memref<10240x128xf32, #tpu.memory_space<vmem_shared>> -> memref<640x128xf32, #tpu.memory_space<vmem_shared>>
      tpu.enqueue_dma source(%dma_start3A_45 : memref<640x128xf32, #tpu.memory_space<vmem_shared>>) target(%dma_start3A_43 : memref<640x128xf32, #tpu.memory_space<hbm>>) target_semaphore(%run_scoped3A : memref<!tpu.dma_semaphore, #tpu.memory_space<semaphore_mem>>)
      %dma_wait3A_46 = arith.constant 0 : i32
      %dma_wait3A_47 = tpu.memref_slice %arg6[%arg0, %mul3A_40, %dma_wait3A_46] : memref<2x10240x128xf32, #tpu.memory_space<hbm>> -> memref<1x640x128xf32, #tpu.memory_space<hbm>>
      %dma_wait3A_48 = tpu.memref_squeeze %dma_wait3A_47 : memref<1x640x128xf32, #tpu.memory_space<hbm>> -> memref<640x128xf32, #tpu.memory_space<hbm>>
      %dma_wait3A_49 = arith.constant 0 : i32
      %dma_wait3A_50 = tpu.memref_slice %arg11[%mul3A_38, %dma_wait3A_49] : memref<10240x128xf32, #tpu.memory_space<vmem_shared>> -> memref<640x128xf32, #tpu.memory_space<vmem_shared>>
      tpu.wait_dma2 semaphore(%run_scoped3A : memref<!tpu.dma_semaphore, #tpu.memory_space<semaphore_mem>>) src(%dma_wait3A_50 : memref<640x128xf32, #tpu.memory_space<vmem_shared>>) dst(%dma_wait3A_48 : memref<640x128xf32, #tpu.memory_space<hbm>>)
      tpu.yield
    }) : () -> ()
    return
  }
}

#map = affine_map<(d0, d1) -> (0, 0, 0)>
#map1 = affine_map<(d0, d1) -> (0, 0)>
module attributes {stable_mosaic.version = 14 : i64} {
  func.func @_degree(%arg0: i32, %arg1: i32, %arg2: memref<32x80x128xi32, #tpu.memory_space<hbm>>, %arg3: memref<10240x128xf32, #tpu.memory_space<hbm>>, %arg4: memref<128x128xf32, #tpu.memory_space<hbm>>, %arg5: memref<2x10240x128xf32, #tpu.memory_space<hbm>>, %arg6: memref<80x128xi32, #tpu.memory_space<vmem>>, %arg7: memref<128x128xf32, #tpu.memory_space<vmem>>, %arg8: memref<10240x128xf32, #tpu.memory_space<vmem_shared>>, %arg9: memref<!tpu.dma_semaphore, #tpu.memory_space<semaphore_mem>>, %arg10: memref<!tpu.dma_semaphore, #tpu.memory_space<semaphore_mem>>) attributes {dimension_semantics = [#tpu.dimension_semantics<core_parallel>, #tpu.dimension_semantics<subcore_parallel>], iteration_bounds = array<i64: 2, 16>, scalar_prefetch = 0 : i64, scratch_operands = 5 : i64, tpu.core_type = #tpu.core_type<sc_vector_subcore>, window_params = [{transform_indices = #map}, {transform_indices = #map1}, {transform_indices = #map1}, {transform_indices = #map}]} {
    %mul3A = arith.constant 16 : i32
    %mul3A_0 = arith.muli %arg0, %mul3A : i32
    %add3A = arith.addi %mul3A_0, %arg1 : i32
    %mul3A_1 = arith.constant 640 : i32
    %mul3A_2 = arith.muli %arg1, %mul3A_1 : i32
    %mul3A_3 = arith.constant 640 : i32
    %mul3A_4 = arith.muli %arg1, %mul3A_3 : i32
    "tpu.region"() ({
      %run_scoped3A = tpu.sem_alloc : memref<!tpu.dma_semaphore, #tpu.memory_space<semaphore_mem>>
      %dma_start3A = arith.constant 0 : i32
      %dma_start3A_21 = tpu.memref_slice %arg8[%mul3A_4, %dma_start3A] : memref<10240x128xf32, #tpu.memory_space<vmem_shared>> -> memref<640x128xf32, #tpu.memory_space<vmem_shared>>
      %dma_start3A_22 = arith.constant 0 : i32
      %dma_start3A_23 = tpu.memref_slice %arg3[%mul3A_2, %dma_start3A_22] : memref<10240x128xf32, #tpu.memory_space<hbm>> -> memref<640x128xf32, #tpu.memory_space<hbm>>
      tpu.enqueue_dma source(%dma_start3A_23 : memref<640x128xf32, #tpu.memory_space<hbm>>) target(%dma_start3A_21 : memref<640x128xf32, #tpu.memory_space<vmem_shared>>) target_semaphore(%run_scoped3A : memref<!tpu.dma_semaphore, #tpu.memory_space<semaphore_mem>>)
      %dma_wait3A_24 = arith.constant 0 : i32
      %dma_wait3A_25 = tpu.memref_slice %arg8[%mul3A_4, %dma_wait3A_24] : memref<10240x128xf32, #tpu.memory_space<vmem_shared>> -> memref<640x128xf32, #tpu.memory_space<vmem_shared>>
      %dma_wait3A_26 = arith.constant 0 : i32
      %dma_wait3A_27 = tpu.memref_slice %arg3[%mul3A_2, %dma_wait3A_26] : memref<10240x128xf32, #tpu.memory_space<hbm>> -> memref<640x128xf32, #tpu.memory_space<hbm>>
      tpu.wait_dma2 semaphore(%run_scoped3A : memref<!tpu.dma_semaphore, #tpu.memory_space<semaphore_mem>>) src(%dma_wait3A_27 : memref<640x128xf32, #tpu.memory_space<hbm>>) dst(%dma_wait3A_25 : memref<640x128xf32, #tpu.memory_space<vmem_shared>>)
      tpu.yield
    }) : () -> ()
    "tpu.region"() ({
      %run_scoped3A = tpu.sem_alloc : memref<!tpu.dma_semaphore, #tpu.memory_space<semaphore_mem>>
      %dma_start3A = arith.constant 0 : i32
      %dma_start3A_21 = arith.constant 0 : i32
      %dma_start3A_22 = tpu.memref_slice %arg2[%add3A, %dma_start3A, %dma_start3A_21] : memref<32x80x128xi32, #tpu.memory_space<hbm>> -> memref<1x80x128xi32, #tpu.memory_space<hbm>>
      %dma_start3A_23 = tpu.memref_squeeze %dma_start3A_22 : memref<1x80x128xi32, #tpu.memory_space<hbm>> -> memref<80x128xi32, #tpu.memory_space<hbm>>
      %dma_start3A_24 = arith.constant 0 : i32
      %dma_start3A_25 = arith.constant 0 : i32
      %dma_start3A_26 = tpu.memref_slice %arg2[%add3A, %dma_start3A_24, %dma_start3A_25] : memref<32x80x128xi32, #tpu.memory_space<hbm>> -> memref<1x80x128xi32, #tpu.memory_space<hbm>>
      %dma_start3A_27 = tpu.memref_squeeze %dma_start3A_26 : memref<1x80x128xi32, #tpu.memory_space<hbm>> -> memref<80x128xi32, #tpu.memory_space<hbm>>
      tpu.enqueue_dma source(%dma_start3A_27 : memref<80x128xi32, #tpu.memory_space<hbm>>) target(%arg6 : memref<80x128xi32, #tpu.memory_space<vmem>>) target_semaphore(%run_scoped3A : memref<!tpu.dma_semaphore, #tpu.memory_space<semaphore_mem>>)
      %dma_wait3A_28 = arith.constant 0 : i32
      %dma_wait3A_29 = arith.constant 0 : i32
      %dma_wait3A_30 = tpu.memref_slice %arg2[%add3A, %dma_wait3A_28, %dma_wait3A_29] : memref<32x80x128xi32, #tpu.memory_space<hbm>> -> memref<1x80x128xi32, #tpu.memory_space<hbm>>
      %dma_wait3A_31 = tpu.memref_squeeze %dma_wait3A_30 : memref<1x80x128xi32, #tpu.memory_space<hbm>> -> memref<80x128xi32, #tpu.memory_space<hbm>>
      %dma_wait3A_32 = arith.constant 0 : i32
      %dma_wait3A_33 = arith.constant 0 : i32
      %dma_wait3A_34 = tpu.memref_slice %arg2[%add3A, %dma_wait3A_32, %dma_wait3A_33] : memref<32x80x128xi32, #tpu.memory_space<hbm>> -> memref<1x80x128xi32, #tpu.memory_space<hbm>>
      %dma_wait3A_35 = tpu.memref_squeeze %dma_wait3A_34 : memref<1x80x128xi32, #tpu.memory_space<hbm>> -> memref<80x128xi32, #tpu.memory_space<hbm>>
      tpu.wait_dma2 semaphore(%run_scoped3A : memref<!tpu.dma_semaphore, #tpu.memory_space<semaphore_mem>>) src(%dma_wait3A_35 : memref<80x128xi32, #tpu.memory_space<hbm>>) dst(%arg6 : memref<80x128xi32, #tpu.memory_space<vmem>>)
      tpu.yield
    }) : () -> ()
    "tpu.region"() ({
      %run_scoped3A = tpu.sem_alloc : memref<!tpu.dma_semaphore, #tpu.memory_space<semaphore_mem>>
      tpu.enqueue_dma source(%arg4 : memref<128x128xf32, #tpu.memory_space<hbm>>) target(%arg7 : memref<128x128xf32, #tpu.memory_space<vmem>>) target_semaphore(%run_scoped3A : memref<!tpu.dma_semaphore, #tpu.memory_space<semaphore_mem>>)
      tpu.wait_dma2 semaphore(%run_scoped3A : memref<!tpu.dma_semaphore, #tpu.memory_space<semaphore_mem>>) src(%arg4 : memref<128x128xf32, #tpu.memory_space<hbm>>) dst(%arg7 : memref<128x128xf32, #tpu.memory_space<vmem>>)
      tpu.yield
    }) : () -> ()
    %barrier3A = arith.constant 0 : index
    tpu.barrier barrier_id(%barrier3A)
    %scan3A = arith.constant 0 : i32
    %scan3A_5 = arith.constant 0 : i32
    %scan3A_6 = arith.constant 40 : i32
    %scan3A_7 = arith.addi %scan3A_5, %scan3A_6 : i32
    %scan3A_8 = arith.constant 1 : i32
    scf.for %scan3A_21 = %scan3A_5 to %scan3A_7 step %scan3A_8  : i32 {
      %mul3A_22 = arith.constant 2 : i32
      %mul3A_23 = arith.muli %scan3A_21, %mul3A_22 : i32
      %add3A_24 = arith.constant 0 : i32
      %add3A_25 = arith.addi %mul3A_23, %add3A_24 : i32
      %ge3A = arith.constant 1 : i32
      %ge3A_26 = arith.cmpi sge, %add3A_25, %ge3A : i32
      %convert_element_type3A = arith.extui %ge3A_26 : i1 to i32
      %cond3A = arith.constant 0 : i32
      %cond3A_27 = arith.cmpi ne, %convert_element_type3A, %cond3A : i32
      scf.if %cond3A_27 {
        %sub3A = arith.constant 1 : i32
        %sub3A_48 = arith.subi %add3A_25, %sub3A : i32
        %dma_wait3A_49 = arith.constant 0 : i32
        %dma_wait3A_50 = tpu.memref_slice %arg6[%sub3A_48, %dma_wait3A_49] : memref<80x128xi32, #tpu.memory_space<vmem>> -> memref<1x128xi32, #tpu.memory_space<vmem>>
        %dma_wait3A_51 = tpu.memref_squeeze %dma_wait3A_50 : memref<1x128xi32, #tpu.memory_space<vmem>> -> memref<128xi32, #tpu.memory_space<vmem>>
        %dma_wait3A_52 = arith.constant 0 : i32
        %dma_wait3A_53 = arith.constant 0 : i32
        %dma_wait3A_54 = tpu.memref_slice %arg8[%dma_wait3A_52, %dma_wait3A_53] : memref<10240x128xf32, #tpu.memory_space<vmem_shared>> -> memref<10240x128xf32, #tpu.memory_space<vmem_shared>>
        tpu.wait_indirect_dma semaphore(%arg10 : memref<!tpu.dma_semaphore, #tpu.memory_space<semaphore_mem>>) src(%arg7 : memref<128x128xf32, #tpu.memory_space<vmem>>) dst(%dma_wait3A_54 : memref<10240x128xf32, #tpu.memory_space<vmem_shared>>)
      } else {
      }
      %dma_start3A = arith.constant 0 : i32
      %dma_start3A_28 = tpu.memref_slice %arg6[%add3A_25, %dma_start3A] : memref<80x128xi32, #tpu.memory_space<vmem>> -> memref<1x128xi32, #tpu.memory_space<vmem>>
      %dma_start3A_29 = tpu.memref_squeeze %dma_start3A_28 : memref<1x128xi32, #tpu.memory_space<vmem>> -> memref<128xi32, #tpu.memory_space<vmem>>
      %dma_start3A_30 = arith.constant 0 : i32
      %dma_start3A_31 = arith.constant 0 : i32
      %dma_start3A_32 = tpu.memref_slice %arg8[%dma_start3A_30, %dma_start3A_31] : memref<10240x128xf32, #tpu.memory_space<vmem_shared>> -> memref<10240x128xf32, #tpu.memory_space<vmem_shared>>
      tpu.enqueue_indirect_dma source(%arg7 : memref<128x128xf32, #tpu.memory_space<vmem>>) target(%dma_start3A_32 : memref<10240x128xf32, #tpu.memory_space<vmem_shared>>) offsets(%dma_start3A_29 : memref<128xi32, #tpu.memory_space<vmem>>) semaphore(%arg9 : memref<!tpu.dma_semaphore, #tpu.memory_space<semaphore_mem>>) {add = true}
      %mul3A_33 = arith.constant 2 : i32
      %mul3A_34 = arith.muli %scan3A_21, %mul3A_33 : i32
      %add3A_35 = arith.constant 1 : i32
      %add3A_36 = arith.addi %mul3A_34, %add3A_35 : i32
      %ge3A_37 = arith.constant 1 : i32
      %ge3A_38 = arith.cmpi sge, %add3A_36, %ge3A_37 : i32
      %convert_element_type3A_39 = arith.extui %ge3A_38 : i1 to i32
      %cond3A_40 = arith.constant 0 : i32
      %cond3A_41 = arith.cmpi ne, %convert_element_type3A_39, %cond3A_40 : i32
      scf.if %cond3A_41 {
        %sub3A = arith.constant 1 : i32
        %sub3A_48 = arith.subi %add3A_36, %sub3A : i32
        %dma_wait3A_49 = arith.constant 0 : i32
        %dma_wait3A_50 = tpu.memref_slice %arg6[%sub3A_48, %dma_wait3A_49] : memref<80x128xi32, #tpu.memory_space<vmem>> -> memref<1x128xi32, #tpu.memory_space<vmem>>
        %dma_wait3A_51 = tpu.memref_squeeze %dma_wait3A_50 : memref<1x128xi32, #tpu.memory_space<vmem>> -> memref<128xi32, #tpu.memory_space<vmem>>
        %dma_wait3A_52 = arith.constant 0 : i32
        %dma_wait3A_53 = arith.constant 0 : i32
        %dma_wait3A_54 = tpu.memref_slice %arg8[%dma_wait3A_52, %dma_wait3A_53] : memref<10240x128xf32, #tpu.memory_space<vmem_shared>> -> memref<10240x128xf32, #tpu.memory_space<vmem_shared>>
        tpu.wait_indirect_dma semaphore(%arg9 : memref<!tpu.dma_semaphore, #tpu.memory_space<semaphore_mem>>) src(%arg7 : memref<128x128xf32, #tpu.memory_space<vmem>>) dst(%dma_wait3A_54 : memref<10240x128xf32, #tpu.memory_space<vmem_shared>>)
      } else {
      }
      %dma_start3A_42 = arith.constant 0 : i32
      %dma_start3A_43 = tpu.memref_slice %arg6[%add3A_36, %dma_start3A_42] : memref<80x128xi32, #tpu.memory_space<vmem>> -> memref<1x128xi32, #tpu.memory_space<vmem>>
      %dma_start3A_44 = tpu.memref_squeeze %dma_start3A_43 : memref<1x128xi32, #tpu.memory_space<vmem>> -> memref<128xi32, #tpu.memory_space<vmem>>
      %dma_start3A_45 = arith.constant 0 : i32
      %dma_start3A_46 = arith.constant 0 : i32
      %dma_start3A_47 = tpu.memref_slice %arg8[%dma_start3A_45, %dma_start3A_46] : memref<10240x128xf32, #tpu.memory_space<vmem_shared>> -> memref<10240x128xf32, #tpu.memory_space<vmem_shared>>
      tpu.enqueue_indirect_dma source(%arg7 : memref<128x128xf32, #tpu.memory_space<vmem>>) target(%dma_start3A_47 : memref<10240x128xf32, #tpu.memory_space<vmem_shared>>) offsets(%dma_start3A_44 : memref<128xi32, #tpu.memory_space<vmem>>) semaphore(%arg10 : memref<!tpu.dma_semaphore, #tpu.memory_space<semaphore_mem>>) {add = true}
    }
    %scan3A_9 = arith.constant 40 : i32
    %dma_wait3A = arith.constant 79 : i32
    %dma_wait3A_10 = arith.constant 0 : i32
    %dma_wait3A_11 = tpu.memref_slice %arg6[%dma_wait3A, %dma_wait3A_10] : memref<80x128xi32, #tpu.memory_space<vmem>> -> memref<1x128xi32, #tpu.memory_space<vmem>>
    %dma_wait3A_12 = tpu.memref_squeeze %dma_wait3A_11 : memref<1x128xi32, #tpu.memory_space<vmem>> -> memref<128xi32, #tpu.memory_space<vmem>>
    %dma_wait3A_13 = arith.constant 0 : i32
    %dma_wait3A_14 = arith.constant 0 : i32
    %dma_wait3A_15 = tpu.memref_slice %arg8[%dma_wait3A_13, %dma_wait3A_14] : memref<10240x128xf32, #tpu.memory_space<vmem_shared>> -> memref<10240x128xf32, #tpu.memory_space<vmem_shared>>
    tpu.wait_indirect_dma semaphore(%arg10 : memref<!tpu.dma_semaphore, #tpu.memory_space<semaphore_mem>>) src(%arg7 : memref<128x128xf32, #tpu.memory_space<vmem>>) dst(%dma_wait3A_15 : memref<10240x128xf32, #tpu.memory_space<vmem_shared>>)
    %barrier3A_16 = arith.constant 0 : index
    tpu.barrier barrier_id(%barrier3A_16)
    %mul3A_17 = arith.constant 640 : i32
    %mul3A_18 = arith.muli %arg1, %mul3A_17 : i32
    %mul3A_19 = arith.constant 640 : i32
    %mul3A_20 = arith.muli %arg1, %mul3A_19 : i32
    "tpu.region"() ({
      %run_scoped3A = tpu.sem_alloc : memref<!tpu.dma_semaphore, #tpu.memory_space<semaphore_mem>>
      %dma_start3A = arith.constant 0 : i32
      %dma_start3A_21 = tpu.memref_slice %arg5[%arg0, %mul3A_20, %dma_start3A] : memref<2x10240x128xf32, #tpu.memory_space<hbm>> -> memref<1x640x128xf32, #tpu.memory_space<hbm>>
      %dma_start3A_22 = tpu.memref_squeeze %dma_start3A_21 : memref<1x640x128xf32, #tpu.memory_space<hbm>> -> memref<640x128xf32, #tpu.memory_space<hbm>>
      %dma_start3A_23 = arith.constant 0 : i32
      %dma_start3A_24 = tpu.memref_slice %arg8[%mul3A_18, %dma_start3A_23] : memref<10240x128xf32, #tpu.memory_space<vmem_shared>> -> memref<640x128xf32, #tpu.memory_space<vmem_shared>>
      tpu.enqueue_dma source(%dma_start3A_24 : memref<640x128xf32, #tpu.memory_space<vmem_shared>>) target(%dma_start3A_22 : memref<640x128xf32, #tpu.memory_space<hbm>>) target_semaphore(%run_scoped3A : memref<!tpu.dma_semaphore, #tpu.memory_space<semaphore_mem>>)
      %dma_wait3A_25 = arith.constant 0 : i32
      %dma_wait3A_26 = tpu.memref_slice %arg5[%arg0, %mul3A_20, %dma_wait3A_25] : memref<2x10240x128xf32, #tpu.memory_space<hbm>> -> memref<1x640x128xf32, #tpu.memory_space<hbm>>
      %dma_wait3A_27 = tpu.memref_squeeze %dma_wait3A_26 : memref<1x640x128xf32, #tpu.memory_space<hbm>> -> memref<640x128xf32, #tpu.memory_space<hbm>>
      %dma_wait3A_28 = arith.constant 0 : i32
      %dma_wait3A_29 = tpu.memref_slice %arg8[%mul3A_18, %dma_wait3A_28] : memref<10240x128xf32, #tpu.memory_space<vmem_shared>> -> memref<640x128xf32, #tpu.memory_space<vmem_shared>>
      tpu.wait_dma2 semaphore(%run_scoped3A : memref<!tpu.dma_semaphore, #tpu.memory_space<semaphore_mem>>) src(%dma_wait3A_29 : memref<640x128xf32, #tpu.memory_space<vmem_shared>>) dst(%dma_wait3A_27 : memref<640x128xf32, #tpu.memory_space<hbm>>)
      tpu.yield
    }) : () -> ()
    return
  }
}

module attributes {stable_mosaic.version = 14 : i64} {
  func.func @_dis_g1_body(%arg0: i32, %arg1: memref<2x1024x128xf32, #tpu.memory_space<vmem>>, %arg2: memref<1024x128xf32, #tpu.memory_space<vmem>>, %arg3: memref<1024x1xf32, #tpu.memory_space<vmem>>, %arg4: memref<1024x128xf32, #tpu.memory_space<vmem>>) attributes {dimension_semantics = [#tpu.dimension_semantics<arbitrary>], iteration_bounds = array<i64: 10>, scalar_prefetch = 0 : i64, scratch_operands = 0 : i64, tpu.core_type = #tpu.core_type<tc>, window_params = [{transform_indices = @transform_0, window_bounds = array<i64: 2, 1024, 128>}, {transform_indices = @transform_1, window_bounds = array<i64: 1024, 128>}, {transform_indices = @transform_2, window_bounds = array<i64: 1024, 1>}, {transform_indices = @transform_3, window_bounds = array<i64: 1024, 128>}]} {
    %get3A = arith.constant 0 : index
    %get3A_0 = arith.constant 0 : index
    %get3A_1 = arith.constant 0 : index
    %get3A_2 = vector.load %arg1[%get3A, %get3A_0, %get3A_1] : memref<2x1024x128xf32, #tpu.memory_space<vmem>>, vector<1x1024x1xf32>
    %get3A_3 = vector.shape_cast %get3A_2 : vector<1x1024x1xf32> to vector<1024x1xf32>
    %get3A_4 = arith.constant 1 : index
    %get3A_5 = arith.constant 0 : index
    %get3A_6 = arith.constant 0 : index
    %get3A_7 = vector.load %arg1[%get3A_4, %get3A_5, %get3A_6] : memref<2x1024x128xf32, #tpu.memory_space<vmem>>, vector<1x1024x1xf32>
    %get3A_8 = vector.shape_cast %get3A_7 : vector<1x1024x1xf32> to vector<1024x1xf32>
    %add3A = arith.addf %get3A_3, %get3A_8 : vector<1024x1xf32>
    %add3A_9 = arith.constant 1.000000e+00 : f32
    %add3A_10 = vector.broadcast %add3A_9 : f32 to vector<1024x1xf32>
    %add3A_11 = arith.addf %add3A, %add3A_10 : vector<1024x1xf32>
    %rsqrt3A = math.rsqrt %add3A_11 : vector<1024x1xf32>
    %swap3A = arith.constant 0 : index
    %swap3A_12 = arith.constant 0 : index
    %swap3A_13 = vector.load %arg3[%swap3A, %swap3A_12] : memref<1024x1xf32, #tpu.memory_space<vmem>>, vector<1024x1xf32>
    tpu.vector_store %arg3[%swap3A, %swap3A_12], %rsqrt3A {strides = array<i32>} : memref<1024x1xf32, #tpu.memory_space<vmem>>, vector<1024x1xf32>,
    %get3A_14 = arith.constant 0 : index
    %get3A_15 = arith.constant 0 : index
    %get3A_16 = vector.load %arg2[%get3A_14, %get3A_15] : memref<1024x128xf32, #tpu.memory_space<vmem>>, vector<1024x128xf32>
    %mul3A = vector.broadcast %rsqrt3A : vector<1024x1xf32> to vector<1024x128xf32>
    %mul3A_17 = arith.mulf %get3A_16, %mul3A : vector<1024x128xf32>
    %swap3A_18 = arith.constant 0 : index
    %swap3A_19 = arith.constant 0 : index
    %swap3A_20 = vector.load %arg4[%swap3A_18, %swap3A_19] : memref<1024x128xf32, #tpu.memory_space<vmem>>, vector<1024x128xf32>
    tpu.vector_store %arg4[%swap3A_18, %swap3A_19], %mul3A_17 {strides = array<i32>} : memref<1024x128xf32, #tpu.memory_space<vmem>>, vector<1024x128xf32>,
    return
  }
  func.func @transform_0(%arg0: i32) -> (i32, i32, i32) {
    %c0_i32 = arith.constant 0 : i32
    %c0_i32_0 = arith.constant 0 : i32
    %c0_i32_1 = arith.constant 0 : i32
    return %c0_i32, %arg0, %c0_i32_0 : i32, i32, i32
  }
  func.func @transform_1(%arg0: i32) -> (i32, i32) {
    %c0_i32 = arith.constant 0 : i32
    %c0_i32_0 = arith.constant 0 : i32
    return %arg0, %c0_i32 : i32, i32
  }
  func.func @transform_2(%arg0: i32) -> (i32, i32) {
    %c0_i32 = arith.constant 0 : i32
    %c0_i32_0 = arith.constant 0 : i32
    return %arg0, %c0_i32 : i32, i32
  }
  func.func @transform_3(%arg0: i32) -> (i32, i32) {
    %c0_i32 = arith.constant 0 : i32
    %c0_i32_0 = arith.constant 0 : i32
    return %arg0, %c0_i32 : i32, i32
  }
}

module attributes {stable_mosaic.version = 14 : i64} {
  func.func @_mid_body(%arg0: i32, %arg1: memref<2x1024x128xf32, #tpu.memory_space<vmem>>, %arg2: memref<1024x1xf32, #tpu.memory_space<vmem>>, %arg3: memref<1024x128xf32, #tpu.memory_space<vmem>>, %arg4: memref<128x256xf32, #tpu.memory_space<vmem>>, %arg5: memref<1x256xf32, #tpu.memory_space<vmem>>, %arg6: memref<256x128xf32, #tpu.memory_space<vmem>>, %arg7: memref<1024x128xf32, #tpu.memory_space<vmem>>) attributes {dimension_semantics = [#tpu.dimension_semantics<arbitrary>], iteration_bounds = array<i64: 10>, scalar_prefetch = 0 : i64, scratch_operands = 0 : i64, tpu.core_type = #tpu.core_type<tc>, window_params = [{transform_indices = @transform_0, window_bounds = array<i64: 2, 1024, 128>}, {transform_indices = @transform_1, window_bounds = array<i64: 1024, 1>}, {transform_indices = @transform_2, window_bounds = array<i64: 1024, 128>}, {pipeline_mode = #tpu.pipeline_mode<synchronous>, transform_indices = @transform_3, window_bounds = array<i64: 128, 256>}, {pipeline_mode = #tpu.pipeline_mode<synchronous>, transform_indices = @transform_4, window_bounds = array<i64: 1, 256>}, {pipeline_mode = #tpu.pipeline_mode<synchronous>, transform_indices = @transform_5, window_bounds = array<i64: 256, 128>}, {transform_indices = @transform_6, window_bounds = array<i64: 1024, 128>}]} {
    %get3A = arith.constant 0 : index
    %get3A_0 = arith.constant 0 : index
    %get3A_1 = vector.load %arg2[%get3A, %get3A_0] : memref<1024x1xf32, #tpu.memory_space<vmem>>, vector<1024x1xf32>
    %get3A_2 = arith.constant 0 : index
    %get3A_3 = arith.constant 0 : index
    %get3A_4 = arith.constant 0 : index
    %get3A_5 = vector.load %arg1[%get3A_2, %get3A_3, %get3A_4] : memref<2x1024x128xf32, #tpu.memory_space<vmem>>, vector<1x1024x128xf32>
    %get3A_6 = vector.shape_cast %get3A_5 : vector<1x1024x128xf32> to vector<1024x128xf32>
    %get3A_7 = arith.constant 1 : index
    %get3A_8 = arith.constant 0 : index
    %get3A_9 = arith.constant 0 : index
    %get3A_10 = vector.load %arg1[%get3A_7, %get3A_8, %get3A_9] : memref<2x1024x128xf32, #tpu.memory_space<vmem>>, vector<1x1024x128xf32>
    %get3A_11 = vector.shape_cast %get3A_10 : vector<1x1024x128xf32> to vector<1024x128xf32>
    %add3A = arith.addf %get3A_6, %get3A_11 : vector<1024x128xf32>
    %get3A_12 = arith.constant 0 : index
    %get3A_13 = arith.constant 0 : index
    %get3A_14 = vector.load %arg3[%get3A_12, %get3A_13] : memref<1024x128xf32, #tpu.memory_space<vmem>>, vector<1024x128xf32>
    %add3A_15 = arith.addf %add3A, %get3A_14 : vector<1024x128xf32>
    %mul3A = vector.broadcast %get3A_1 : vector<1024x1xf32> to vector<1024x128xf32>
    %mul3A_16 = arith.mulf %mul3A, %add3A_15 : vector<1024x128xf32>
    %get3A_17 = arith.constant 0 : index
    %get3A_18 = arith.constant 0 : index
    %get3A_19 = vector.load %arg4[%get3A_17, %get3A_18] : memref<128x256xf32, #tpu.memory_space<vmem>>, vector<128x256xf32>
    %dot_general3A = arith.constant dense<0.000000e+00> : vector<1024x256xf32>
    %dot_general3A_20 = tpu.matmul %mul3A_16, %get3A_19, %dot_general3A {dimension_numbers = #tpu.dot_dimension_numbers<[1], [0], [0], [1], [0, 0, 1, 1], [], []>, transpose_lhs_hint = false} : vector<1024x128xf32>, vector<128x256xf32>, vector<1024x256xf32> -> vector<1024x256xf32>
    %get3A_21 = arith.constant 0 : index
    %get3A_22 = arith.constant 0 : index
    %get3A_23 = vector.load %arg5[%get3A_21, %get3A_22] : memref<1x256xf32, #tpu.memory_space<vmem>>, vector<1x256xf32>
    %add3A_24 = vector.broadcast %get3A_23 : vector<1x256xf32> to vector<1024x256xf32>
    %add3A_25 = arith.addf %dot_general3A_20, %add3A_24 : vector<1024x256xf32>
    %max3A = arith.constant 0.000000e+00 : f32
    %max3A_26 = vector.broadcast %max3A : f32 to vector<1024x256xf32>
    %max3A_27 = arith.maximumf %add3A_25, %max3A_26 : vector<1024x256xf32>
    %get3A_28 = arith.constant 0 : index
    %get3A_29 = arith.constant 0 : index
    %get3A_30 = vector.load %arg6[%get3A_28, %get3A_29] : memref<256x128xf32, #tpu.memory_space<vmem>>, vector<256x128xf32>
    %dot_general3A_31 = arith.constant dense<0.000000e+00> : vector<1024x128xf32>
    %dot_general3A_32 = tpu.matmul %max3A_27, %get3A_30, %dot_general3A_31 {dimension_numbers = #tpu.dot_dimension_numbers<[1], [0], [0], [1], [0, 0, 1, 1], [], []>, transpose_lhs_hint = false} : vector<1024x256xf32>, vector<256x128xf32>, vector<1024x128xf32> -> vector<1024x128xf32>
    %mul3A_33 = vector.broadcast %get3A_1 : vector<1024x1xf32> to vector<1024x128xf32>
    %mul3A_34 = arith.mulf %mul3A_33, %dot_general3A_32 : vector<1024x128xf32>
    %swap3A = arith.constant 0 : index
    %swap3A_35 = arith.constant 0 : index
    %swap3A_36 = vector.load %arg7[%swap3A, %swap3A_35] : memref<1024x128xf32, #tpu.memory_space<vmem>>, vector<1024x128xf32>
    tpu.vector_store %arg7[%swap3A, %swap3A_35], %mul3A_34 {strides = array<i32>} : memref<1024x128xf32, #tpu.memory_space<vmem>>, vector<1024x128xf32>,
    return
  }
  func.func @transform_0(%arg0: i32) -> (i32, i32, i32) {
    %c0_i32 = arith.constant 0 : i32
    %c0_i32_0 = arith.constant 0 : i32
    %c0_i32_1 = arith.constant 0 : i32
    return %c0_i32, %arg0, %c0_i32_0 : i32, i32, i32
  }
  func.func @transform_1(%arg0: i32) -> (i32, i32) {
    %c0_i32 = arith.constant 0 : i32
    %c0_i32_0 = arith.constant 0 : i32
    return %arg0, %c0_i32 : i32, i32
  }
  func.func @transform_2(%arg0: i32) -> (i32, i32) {
    %c0_i32 = arith.constant 0 : i32
    %c0_i32_0 = arith.constant 0 : i32
    return %arg0, %c0_i32 : i32, i32
  }
  func.func @transform_3(%arg0: i32) -> (i32, i32) {
    %c0_i32 = arith.constant 0 : i32
    %c0_i32_0 = arith.constant 0 : i32
    %c0_i32_1 = arith.constant 0 : i32
    return %c0_i32, %c0_i32_0 : i32, i32
  }
  func.func @transform_4(%arg0: i32) -> (i32, i32) {
    %c0_i32 = arith.constant 0 : i32
    %c0_i32_0 = arith.constant 0 : i32
    %c0_i32_1 = arith.constant 0 : i32
    return %c0_i32, %c0_i32_0 : i32, i32
  }
  func.func @transform_5(%arg0: i32) -> (i32, i32) {
    %c0_i32 = arith.constant 0 : i32
    %c0_i32_0 = arith.constant 0 : i32
    %c0_i32_1 = arith.constant 0 : i32
    return %c0_i32, %c0_i32_0 : i32, i32
  }
  func.func @transform_6(%arg0: i32) -> (i32, i32) {
    %c0_i32 = arith.constant 0 : i32
    %c0_i32_0 = arith.constant 0 : i32
    return %arg0, %c0_i32 : i32, i32
  }
}

module attributes {stable_mosaic.version = 14 : i64} {
  func.func @_final_body(%arg0: i32, %arg1: memref<2x2000x128xf32, #tpu.memory_space<vmem>>, %arg2: memref<2000x1xf32, #tpu.memory_space<vmem>>, %arg3: memref<2000x128xf32, #tpu.memory_space<vmem>>, %arg4: memref<1x128xf32, #tpu.memory_space<vmem>>, %arg5: memref<2000x128xf32, #tpu.memory_space<vmem>>) attributes {dimension_semantics = [#tpu.dimension_semantics<arbitrary>], iteration_bounds = array<i64: 5>, scalar_prefetch = 0 : i64, scratch_operands = 0 : i64, tpu.core_type = #tpu.core_type<tc>, window_params = [{transform_indices = @transform_0, window_bounds = array<i64: 2, 2000, 128>}, {transform_indices = @transform_1, window_bounds = array<i64: 2000, 1>}, {transform_indices = @transform_2, window_bounds = array<i64: 2000, 128>}, {pipeline_mode = #tpu.pipeline_mode<synchronous>, transform_indices = @transform_3, window_bounds = array<i64: 1, 128>}, {transform_indices = @transform_4, window_bounds = array<i64: 2000, 128>}]} {
    %get3A = arith.constant 0 : index
    %get3A_0 = arith.constant 0 : index
    %get3A_1 = vector.load %arg2[%get3A, %get3A_0] : memref<2000x1xf32, #tpu.memory_space<vmem>>, vector<2000x1xf32>
    %get3A_2 = arith.constant 0 : index
    %get3A_3 = arith.constant 0 : index
    %get3A_4 = arith.constant 0 : index
    %get3A_5 = vector.load %arg1[%get3A_2, %get3A_3, %get3A_4] : memref<2x2000x128xf32, #tpu.memory_space<vmem>>, vector<1x2000x128xf32>
    %get3A_6 = vector.shape_cast %get3A_5 : vector<1x2000x128xf32> to vector<2000x128xf32>
    %get3A_7 = arith.constant 1 : index
    %get3A_8 = arith.constant 0 : index
    %get3A_9 = arith.constant 0 : index
    %get3A_10 = vector.load %arg1[%get3A_7, %get3A_8, %get3A_9] : memref<2x2000x128xf32, #tpu.memory_space<vmem>>, vector<1x2000x128xf32>
    %get3A_11 = vector.shape_cast %get3A_10 : vector<1x2000x128xf32> to vector<2000x128xf32>
    %add3A = arith.addf %get3A_6, %get3A_11 : vector<2000x128xf32>
    %get3A_12 = arith.constant 0 : index
    %get3A_13 = arith.constant 0 : index
    %get3A_14 = vector.load %arg3[%get3A_12, %get3A_13] : memref<2000x128xf32, #tpu.memory_space<vmem>>, vector<2000x128xf32>
    %add3A_15 = arith.addf %add3A, %get3A_14 : vector<2000x128xf32>
    %mul3A = vector.broadcast %get3A_1 : vector<2000x1xf32> to vector<2000x128xf32>
    %mul3A_16 = arith.mulf %mul3A, %add3A_15 : vector<2000x128xf32>
    %get3A_17 = arith.constant 0 : index
    %get3A_18 = arith.constant 0 : index
    %get3A_19 = vector.load %arg4[%get3A_17, %get3A_18] : memref<1x128xf32, #tpu.memory_space<vmem>>, vector<1x128xf32>
    %add3A_20 = vector.broadcast %get3A_19 : vector<1x128xf32> to vector<2000x128xf32>
    %add3A_21 = arith.addf %mul3A_16, %add3A_20 : vector<2000x128xf32>
    %swap3A = arith.constant 0 : index
    %swap3A_22 = arith.constant 0 : index
    %swap3A_23 = vector.load %arg5[%swap3A, %swap3A_22] : memref<2000x128xf32, #tpu.memory_space<vmem>>, vector<2000x128xf32>
    tpu.vector_store %arg5[%swap3A, %swap3A_22], %add3A_21 {strides = array<i32>} : memref<2000x128xf32, #tpu.memory_space<vmem>>, vector<2000x128xf32>,
    return
  }
  func.func @transform_0(%arg0: i32) -> (i32, i32, i32) {
    %c0_i32 = arith.constant 0 : i32
    %c0_i32_0 = arith.constant 0 : i32
    %c0_i32_1 = arith.constant 0 : i32
    return %c0_i32, %arg0, %c0_i32_0 : i32, i32, i32
  }
  func.func @transform_1(%arg0: i32) -> (i32, i32) {
    %c0_i32 = arith.constant 0 : i32
    %c0_i32_0 = arith.constant 0 : i32
    return %arg0, %c0_i32 : i32, i32
  }
  func.func @transform_2(%arg0: i32) -> (i32, i32) {
    %c0_i32 = arith.constant 0 : i32
    %c0_i32_0 = arith.constant 0 : i32
    return %arg0, %c0_i32 : i32, i32
  }
  func.func @transform_3(%arg0: i32) -> (i32, i32) {
    %c0_i32 = arith.constant 0 : i32
    %c0_i32_0 = arith.constant 0 : i32
    %c0_i32_1 = arith.constant 0 : i32
    return %c0_i32, %c0_i32_0 : i32, i32
  }
  func.func @transform_4(%arg0: i32) -> (i32, i32) {
    %c0_i32 = arith.constant 0 : i32
    %c0_i32_0 = arith.constant 0 : i32
    return %arg0, %c0_i32 : i32, i32
  }
}

</mosaic_0001>

<sc_bundles>
// kernel: kernel.11.cloned.1.call-start
scs
__scs_entry_jumppad:
0x0: {  	(pc) =	sbr.rel $0x88, $3  }
0x1: {  	(tag) =	ssettag $0x0;
	lr =	simm.s32 $0x1  }
0x2: {  	[smem:$0x3F9B] =	sst lr;
	_ =	strace $0xD0000000  }
0x3: {  	_ = 	snop  }
0x4: {  	_ = 	snop  }
0x5: {  	_ = 	snop  }
0x6: {  	_ = 	snop  }
0x7: {  	_ = 	snop  }
__scs_overlays_trampoline_lowered:
0x8: {  	[smem:$0x3FAA] =	sst s0  }
0x9: {  	[smem:$0x3FAB] =	sst s1  }
0xa: {  	[smem:$0x3FAC] =	sst s2  }
0xb: {  	[smem:$0x3FAD] =	sst s3  }
0xc: {  	[smem:$0x3FAE] =	sst s4  }
0xd: {  	[smem:$0x3FAF] =	sst s5  }
0xe: {  	[smem:$0x3FB0] =	sst s6  }
0xf: {  	[smem:$0x3FB1] =	sst s7  }
0x10: {  	[smem:$0x3FB2] =	sst s8  }
0x11: {  	[smem:$0x3FB3] =	sst s9;
	s0 =	simm.s32 @!p0 $0x0  }
0x12: {  	s1 =	sld [smem:$0x3F99];
	s0 =	simm.s32 @p0 $0x1  }
0x13: {  	[smem:$0x3FB4] =	sst s0;
	s0 =	simm.s32 @!p1 $0x0  }
0x14: {  	s2 =	sld [smem:$0x3F98];
	s0 =	simm.s32 @p1 $0x1  }
0x15: {  	[smem:$0x3FB5] =	sst s0;
	s0 =	simm.s32 @!p2 $0x0  }
0x16: {  	s3 =	sld [smem:$0x3FDB];
	s0 =	simm.s32 @p2 $0x1  }
0x17: {  	s4 =	simm.s32 $0x1BF5;
	[smem:$0x3FB7] =	sst s0  }
0x18: {  	s0 =	sld [smem:$0x3F9A];
	_ =	swait.ge [sflag:s4], $0x0  }
0x19: {  	s7 =	sld [smem:$0x3F9B]  }
0x1a: {  	s8 =	sadd.s32 $0xFFFFE003, lr  }
0x1b: {  	s9 =	sadd.s32 $0xFFFFFEF7, lr;
	s5 =	simm.s32 $0xFFFFFFFF;
	p2 =	slt.u32 s8, $0xFFFFF086  }
0x1c: {  	p1 =	slt.u32 s9, $0xF7A;
	s5 =	simm.s32 @!p2 $0x0  }
0x1d: {  	s5 =	simm.s32 @p1 $0x1;
	p0 =	seq.s32 s7, s2  }
0x1e: {  	s7 =	smul.u32 @!p0 $0xF7A, s2;
	p2 =	seq.s32 @!p0 s5, $0x0  }
0x1f: {  	s9 =	smul.u32 $0xF7A, s1;
	s8 =	simm.s32 @!p0 $0x1BF5;
	p2 =	por !p2, p0  }
0x20: {  	[sflag:s8] =	ssyncset.s32 @!p0 $0xFFFFF086;
	s6 =	sadd.s32 @!p0 s3, s7;
	s7 =	simm.s32 @!p0 $0x108  }
0x21: {  	s3 =	sadd.s32 s3, s9;
	s6 =	sadd.s32 @!p0 $0x88, s6;
	s7 =	simm.s32 @p2 $0x1082  }
0x22: {  	[simem:s7], [sflag:s8] =	dma.local @!p0 [hbm:s6], $0xF7A  }
0x23: {  	s9 =	sor.u32 $0xD0000000, s2;
	s6 =	simm.s32 $0x108;
	_ =	swait.ge @!p0 [sflag:s8], $0x0  }
0x24: {  	s3 =	sadd.s32 $0x88, s3;
	s6 =	simm.s32 @!p1 $0x1082;
	[sflag:s4] =	ssyncset.s32 $0xFFFFF086  }
0x25: {  	[simem:s6], [sflag:s4] =	dma.local [hbm:s3], $0xF7A  }
0x26: {  	[smem:$0x3F9B] =	sst s1;
	(tag) =	ssettag s2;
	_ =	strace s9  }
0x27: {  	s1 =	sld [smem:$0x3FAB]  }
0x28: {  	s2 =	sld [smem:$0x3FAC]  }
0x29: {  	s4 =	sld [smem:$0x3FAE]  }
0x2a: {  	p0 =	seq.s32 s5, $0x0;
	s5 =	sld [smem:$0x3FAF]  }
0x2b: {  	s6 =	sld [smem:$0x3FB0]  }
0x2c: {  	s7 =	sld [smem:$0x3FB1]  }
0x2d: {  	s3 =	simm.s32 $0x108;
	s8 =	sld [smem:$0x3FB2]  }
0x2e: {  	s3 =	simm.s32 @!p0 $0x1082;
	s9 =	sld [smem:$0x3FB3]  }
0x2f: {  	lr =	sadd.s32 s0, s3;
	s0 =	sld [smem:$0x3FAA]  }
0x30: {  	s3 =	sld [smem:$0x3FAD]  }
0x31: {  	[smem:$0x3FB6] =	sst s10  }
0x32: {  	s10 =	sld [smem:$0x3FB4];
	_ =	sdelay $0x3  }
0x33: {  	p0 =	seq.s32 s10, $0x1;
	s10 =	sld [smem:$0x3FB6];
	_ =	sdelay $0x3  }
0x34: {  	[smem:$0x3FB6] =	sst s10  }
0x35: {  	s10 =	sld [smem:$0x3FB5];
	_ =	sdelay $0x3  }
0x36: {  	p1 =	seq.s32 s10, $0x1;
	s10 =	sld [smem:$0x3FB6];
	_ =	sdelay $0x3  }
0x37: {  	[smem:$0x3FB6] =	sst s10  }
0x38: {  	s10 =	sld [smem:$0x3FB7]  }
0x39: {  	_ = 	snop;
	(pc) =	sbr.ind lr, $3  }
0x3a: {  	_ = 	snop  }
0x3b: {  	_ = 	snop  }
0x3c: {  	p2 =	seq.s32 s10, $0x1;
	s10 =	sld [smem:$0x3FB6]  }
0x3d: {  	_ =	shalt  }
0x3e: {  	_ =	shalt  }
0x3f: {  	_ =	shalt  }
0x40: {  	_ =	shalt  }
0x41: {  	_ =	shalt  }
0x42: {  	_ =	shalt  }
0x43: {  	_ =	shalt  }
0x44: {  	_ =	shalt  }
0x45: {  	_ =	shalt  }
0x46: {  	_ =	shalt  }
0x47: {  	_ =	shalt  }
0x48: {  	_ =	shalt  }
0x49: {  	_ =	shalt  }
0x4a: {  	_ =	shalt  }
0x4b: {  	_ =	shalt  }
0x4c: {  	_ =	shalt  }
0x4d: {  	_ =	shalt  }
0x4e: {  	_ =	shalt  }
0x4f: {  	_ =	shalt  }
0x50: {  	_ =	shalt  }
0x51: {  	_ =	shalt  }
0x52: {  	_ =	shalt  }
0x53: {  	_ =	shalt  }
0x54: {  	_ =	shalt  }
0x55: {  	_ =	shalt  }
0x56: {  	_ =	shalt  }
0x57: {  	_ =	shalt  }
0x58: {  	_ =	shalt  }
0x59: {  	_ =	shalt  }
0x5a: {  	_ =	shalt  }
0x5b: {  	_ =	shalt  }
0x5c: {  	_ =	shalt  }
0x5d: {  	_ =	shalt  }
0x5e: {  	_ =	shalt  }
0x5f: {  	_ =	shalt  }
0x60: {  	_ =	shalt  }
0x61: {  	_ =	shalt  }
0x62: {  	_ =	shalt  }
0x63: {  	_ =	shalt  }
0x64: {  	_ =	shalt  }
0x65: {  	_ =	shalt  }
0x66: {  	_ =	shalt  }
0x67: {  	_ =	shalt  }
0x68: {  	_ =	shalt  }
0x69: {  	_ =	shalt  }
0x6a: {  	_ =	shalt  }
0x6b: {  	_ =	shalt  }
0x6c: {  	_ =	shalt  }
0x6d: {  	_ =	shalt  }
0x6e: {  	_ =	shalt  }
0x6f: {  	_ =	shalt  }
0x70: {  	_ =	shalt  }
0x71: {  	_ =	shalt  }
0x72: {  	_ =	shalt  }
0x73: {  	_ =	shalt  }
0x74: {  	_ =	shalt  }
0x75: {  	_ =	shalt  }
0x76: {  	_ =	shalt  }
0x77: {  	_ =	shalt  }
0x78: {  	_ =	shalt  }
0x79: {  	_ =	shalt  }
0x7a: {  	_ =	shalt  }
0x7b: {  	_ =	shalt  }
0x7c: {  	_ =	shalt  }
0x7d: {  	_ =	shalt  }
0x7e: {  	_ =	shalt  }
0x7f: {  	_ =	shalt  }
0x80: {  	_ =	shalt  }
0x81: {  	_ =	shalt  }
0x82: {  	_ =	shalt  }
0x83: {  	_ =	shalt  }
0x84: {  	_ =	shalt  }
0x85: {  	_ =	shalt  }
0x86: {  	_ =	shalt  }
0x87: {  	_ =	shalt  }
.Lfunc_end0:
.L_simem_size_0:
called_computation.1_lowered:
.L_overlay_start_0:
0x88: {  	s2 =	sld [smem:$0x3FD9]  }
0x89: {  	s3 =	sld [smem:$0x3FFE];
	_ =	sdelay $0x1  }
0x8a: {  	s1 =	srdreg.scid  }
0x8b: {  	s0 =	sand.u32 $0x1, s1  }
0x8c: {  	s17 =	sshll.u32 s0, $0xA;
	s2 =	sadd.s32 s3, s2  }
0x8d: {  	s2 =	sadd.s32 s2, s17  }
0x8e: {  	[smem:$0x3FC2] =	sst s2  }
0x8f: {  	_ = 	snop  }
0x90: {  	s2 =	sld [smem:$0x3FD0];
	(tm) =	ssettm $0x1  }
0x91: {  	s18 =	sld [smem:$0x3FFB];
	_ =	sdelay $0x3  }
0x92: {  	_ =	strace s18  }
0x93: {  	s3 =	sld [smem:$0x3FFC];
	_ =	sdelay $0x3  }
0x94: {  	_ =	strace s3  }
0x95: {  	s3 =	sld [smem:$0x3FFD];
	_ =	sdelay $0x3  }
0x96: {  	_ =	strace s3  }
0x97: {  	_ =	strace $0x8FFFFFFF  }
0x98: {  	s19 =	sld [smem:$0x3FDB];
	_ =	sdelay $0x1  }
0x99: {  	s4 =	simm.s32 $_scs_section_size  }
0x9a: {  	s5 =	simm.s32 $_size__tile_overlayer_lowered;
	s6 =	simm.s32 $_tile_overlayer_lowered  }
0x9b: {  	s22 =	simm.s32 $0x1BFF;
	s21 =	sshll.u32 s6, $0x1;
	s3 =	sadd.s32 s4, s19  }
0x9c: {  	s7 =	simm.s32 $0x0;
	s20 =	sshll.u32 s5, $0x1;
	s5 =	sadd.s32 s21, s3  }
0x9d: {  	[timem:s7], [sflag:s22] =	dma.local [hbm:s5], s20  }
0x9e: {  	_ =	swait.ge [sflag:s22], s20  }
0x9f: {  	s4 =	ssub.s32 $0x0, s20;
	[sflag:s22] =	ssyncset.done $0x0  }
0xa0: {  	[sflag:s22] =	ssyncadd.s32 s4;
	_ =	sdelay $0x1  }
0xa1: {  	s23 =	simm.s32 $0x1B8B  }
0xa2: {  	_ =	swait.ge [sflag:s23], $0x1  }
0xa3: {  	[sflag:s23] =	ssyncset.done $0x0  }
0xa4: {  	s25 =	simm.s32 $0x1B8E;
	s24 =	sld [smem:$0x3FFE];
	[sflag:s23] =	ssyncadd.s32 $0xFFFFFFFF  }
0xa5: {  	s26 =	simm.s32 $execute0_lowered;
	[smem:$0x3FD2] =	sst s25  }
0xa6: {  	s5 =	sshll.u32 s26, $0x1;
	_ =	strace $0x80000049;
	[dreg:$0x1] =	wrdreg $0xFFFFFFFF  }
0xa7: {  	s28 =	simm.s32 $_size_execute0_lowered;
	s3 =	sadd.s32 s3, s5;
	[dreg:$0x0] =	wrdreg $0x0  }
0xa8: {  	s5 =	sshll.u32 s28, $0x1;
	[dreg:$0x2] =	wrdreg s3  }
0xa9: {  	[dreg:$0x3] =	wrdreg s5  }
0xaa: {  	[dreg:$0x4] =	wrdreg $0xC0  }
0xab: {  	_ =	task [dreg:s7], $0x5FFFF  }
0xac: {  	[dreg:$0x1] =	wrdreg $0xFFFFFFFF  }
0xad: {  	[dreg:$0x0] =	wrdreg $0x60  }
0xae: {  	[dreg:$0x2] =	wrdreg s24  }
0xaf: {  	[dreg:$0x3] =	wrdreg s2  }
0xb0: {  	[dreg:$0x4] =	wrdreg $0xA9000  }
0xb1: {  	[dreg:$0x5] =	wrdreg $0x9  }
0xb2: {  	_ =	task.clear_ibuf [dreg:s7], $0x6FFFF;
	_ =	strace $0x90000049  }
0xb3: {  	s29 =	simm.s32 $0x9;
	_ =	strace $0x8000004B  }
0xb4: {  	_ =	swait.ge [sflag:s29], $0x1  }
0xb5: {  	[sflag:s29] =	ssyncadd.s32 $0xFFFFFFFF  }
0xb6: {  	_ =	strace $0x9000004B  }
0xb7: {  	_ =	sfence  }
0xb8: {  	s30 =	sld [smem:$0x0];
	_ =	sdelay $0x2  }
0xb9: {  	s31 =	sshll.u32 s1, $0xD;
	s1 =	sshrl.u32 s1, $0x2  }
0xba: {  	s3 =	sand.u32 $0x4000, s31;
	s1 =	sadd.s32 s1, s30  }
0xbb: {  	s0 =	sor.u32 s3, s0;
	s1 =	sshll.u32 s1, $0x11  }
0xbc: {  	s0 =	sor.u32 s1, s0  }
0xbd: {  	s0 =	sadd.s32 $0x8F2B, s0  }
0xbe: {  	[sflag:s0] =	ssyncadd.remote.s32 $0x1  }
0xbf: {  	_ =	sfence.sel $0xFFFF  }
0xc0: {  	[dreg:$0x0] =	wrdreg $0xFFFFFFFF;
	(pc) =	sbr.abs _section_cstart, $3  }
0xc1: {  	[dreg:$0x1] =	wrdreg $0xFFFFFFFF  }
0xc2: {  	_ =	task.clear_ibuf [dreg:s7], $0x2FFFF;
	_ =	strace $0x9FFFFFFF  }
0xc3: {  	(tm) =	ssettm $0x7FFFFFFF  }
tec
execute0_lowered:
.L_overlay_start_1:
0x0: {  	(tag) =	ssettag $0x1  }
0x1: {  	s0 =	srdreg.scid;
	s7 =	rddreg [dreg:$0x0]  }
0x2: {  	s24 =	stileid.u32;
	s2 =	rddreg [dreg:$0x1]  }
0x3: {  	s5 =	simm.s32 $0x0;
	s16 =	simm.s32 $0x7;
	s17 =	simm.s32 $0x2800  }
0x4: {  	s18 =	simm.s32 $0x80;
	s19 =	simm.s32 $0x2900;
	s20 =	simm.s32 $0x1  }
0x5: {  	s21 =	simm.s32 $0x5;
	s22 =	simm.s32 $0x2880;
	s23 =	simm.s32 $0x6900  }
0x6: {  	s29 =	simm.s32 $0x4;
	s30 =	simm.s32 $0x0;
	s1 =	sand.u32 $0x1, s0  }
0x7: {  	s8 =	smul.u32 $0x14000, s24;
	[smem:$0x7FF] =	sst s5;
	s6 =	sadd.s32 $0x2A600, s7  }
0x8: {  	s25 =	smul.u32 $0x50000, s24;
	s31 =	sshll.u32 s24, $0x6;
	s3 =	sshll.u32 s1, $0x4  }
0x9: {  	s9 =	smul.u32 $0x140000, s1;
	s1 =	ssub.s32 $0x2, s1;
	s4 =	sor.u32 s24, s3  }
0xa: {  	s3 =	rddreg [dreg:$0x2];
	_ =	strace $0x8000004A;
	s12 =	sshrl.u32 s8, $0x3  }
0xb: {  	s26 =	sshrl.u32 s1, $0x1;
	s28 =	sshrl.u32 s25, $0x2;
	s24 =	simm.s32 $0x2  }
0xc: {  	s25 =	simm.s32 $0x6;
	s4 =	smul.u32 $0x2800, s4;
	s8 =	sadd.s32 s8, s9  }
0xd: {  	s12 =	sadd.s32 s12, s7;
	s1 =	ssub.s32 s1, s26;
	s15 =	sadd.s32 s28, s3  }
.Ltmp0:
0xe: {  	s26 =	simm.s32 $0x3;
	s8 =	sshrl.u32 s8, $0x3;
	(pc) =	sbr.rel .LBB2_1-.Ltmp0, $4  }
0xf: {  	s15 =	sshrl.u32 s15, $0x3;
	s10 =	sshrl.u32 s4, $0x3;
	s13 =	sadd.s32 s8, s7  }
0x10: {  	s8 =	sor.u32 $0x1C07, s31;
	s11 =	sadd.s32 s10, s7;
	s7 =	sadd.s32 $0x2600, s12  }
0x11: {  	s10 =	sadd.s32 s2, s10;
	s12 =	smax.u32 s1, $0x1;
	s9 =	sadd.s32 $0x7AE00, s11  }
0x12: {  	s11 =	sadd.s32 $0x84E00, s13;
	s13 =	sadd.s32 $0x10, s10;
	s14 =	sadd.s32 $0x20, s10  }
.LBB2_4:
0x13: {  	_ =	swait.ge [sflag:s29], $0x4000  }
0x14: {  	s30 =	sadd.s32 $0x1, s30;
	[sflag:s29] =	ssyncset.done $0x0  }
0x15: {  	p0 =	sne.s32 s30, s12;
	[sflag:s29] =	ssyncadd.s32 $0xFFFFC000  }
.Ltmp1:
0x16: {  	[bflag:$0x0] =	sbarrier.arrive $0xFFFF;
	(pc) =	sbr.rel @!p0 .LBB2_5-.Ltmp1, $4  }
0x17: {  	[hbm:s11], [sflag:s8] =	dma.local [spmem:s15], $0x2800  }
0x18: {  	_ =	swait.ge [sflag:s16], $0x2800  }
0x19: {  	[sflag:s16] =	ssyncset.done $0x0  }
0x1a: {  	[sflag:s16] =	ssyncadd.s32 $0xFFFFD800  }
.LBB2_1:
0x1b: {  	[spmem:s15], [sflag:s8] =	dma.local [hbm:s7], $0x2800  }
0x1c: {  	_ =	swait.ge [sflag:s16], $0x2800  }
0x1d: {  	[sflag:s16] =	ssyncset.done $0x0  }
0x1e: {  	[sflag:s16] =	ssyncadd.s32 $0xFFFFD800  }
0x1f: {  	[tilespmem:s5], [sflag:$0x7] =	stream.linear.gather [hbm4b:s9+s5], $0x2800, $0x38;
	[tilespmem:$0x1E900] =	vst v63  }
0x20: {  	_ =	swait.ge [sflag:s16], $0x2800  }
0x21: {  	[sflag:s16] =	ssyncset.done $0x0  }
0x22: {  	[sflag:s16] =	ssyncadd.s32 $0xFFFFD800  }
0x23: {  	[tilespmem:s17], [sflag:$0x5] =	stream.linear.gather [hbm4b:s10+s5], $0x80, $0x38;
	[tilespmem:$0x1E900] =	vst v63  }
0x24: {  	_ = 	snop  }
0x25: {  	[tilespmem:s19], [sflag:$0x1] =	stream.indirect.gather [hbm4b:s6+s18], $0x80, s5, s18, $0xb8;
	[tilespmem:$0x1E900] =	vst v63  }
0x26: {  	[bflag:$0x0] =	sbarrier.arrive $0xFFFF  }
0x27: {  	_ =	swait.ge [sflag:s20], $0x4000  }
0x28: {  	[sflag:s20] =	ssyncset.done $0x0  }
0x29: {  	[sflag:s20] =	ssyncadd.s32 $0xFFFFC000  }
0x2a: {  	_ =	swait.ge [sflag:s21], $0x80  }
0x2b: {  	[sflag:s21] =	ssyncset.done $0x0  }
0x2c: {  	[sflag:s21] =	ssyncadd.s32 $0xFFFFFF80  }
0x2d: {  	[spmem:s3] =	stream.indirect.scatter.add.f32 [tilespmem:s19], [sflag:$0x3], $0x80, s17, s18, $0xb8;
	[tilespmem:$0x1E900] =	vst v63  }
0x2e: {  	_ = 	snop  }
0x2f: {  	[tilespmem:s22], [sflag:$0x6] =	stream.linear.gather [hbm4b:s13+s5], $0x80, $0x38;
	[tilespmem:$0x1E900] =	vst v63  }
0x30: {  	_ = 	snop  }
0x31: {  	[tilespmem:s23], [sflag:$0x2] =	stream.indirect.gather [hbm4b:s6+s18], $0x80, s18, s18, $0xb8;
	[tilespmem:$0x1E900] =	vst v63  }
0x32: {  	_ =	swait.ge [sflag:s24], $0x4000  }
0x33: {  	[sflag:s24] =	ssyncset.done $0x0  }
0x34: {  	[sflag:s24] =	ssyncadd.s32 $0xFFFFC000  }
0x35: {  	_ =	swait.ge [sflag:s25], $0x80  }
0x36: {  	[sflag:s25] =	ssyncset.done $0x0  }
0x37: {  	[sflag:s25] =	ssyncadd.s32 $0xFFFFFF80  }
0x38: {  	_ =	swait.ge [sflag:s26], $0x4000  }
0x39: {  	[sflag:s26] =	ssyncset.done $0x0  }
0x3a: {  	[sflag:s26] =	ssyncadd.s32 $0xFFFFC000  }
0x3b: {  	[spmem:s3] =	stream.indirect.scatter.add.f32 [tilespmem:s23], [sflag:$0x4], $0x80, s22, s18, $0xb8;
	[tilespmem:$0x1E900] =	vst v63  }
0x3c: {  	_ = 	snop  }
0x3d: {  	[tilespmem:s17], [sflag:$0x5] =	stream.linear.gather [hbm4b:s14+s5], $0x80, $0x38;
	[tilespmem:$0x1E900] =	vst v63  }
0x3e: {  	s0 =	simm.s32 $0x100;
	s31 =	simm.s32 $0x200;
	s1 =	simm.s32 $0x180  }
0x3f: {  	[tilespmem:s19], [sflag:$0x1] =	stream.indirect.gather [hbm4b:s6+s18], $0x80, s0, s18, $0xb8;
	[tilespmem:$0x1E900] =	vst v63  }
.LBB2_2:
0x40: {  	_ =	swait.ge [sflag:s20], $0x4000  }
0x41: {  	[sflag:s20] =	ssyncset.done $0x0  }
0x42: {  	[sflag:s20] =	ssyncadd.s32 $0xFFFFC000  }
0x43: {  	_ =	swait.ge [sflag:s21], $0x80  }
0x44: {  	s0 =	sadd.s32 $0xFFFFFF00, s31;
	[sflag:s21] =	ssyncset.done $0x0  }
0x45: {  	s28 =	sadd.s32 $0xFFFFFF80, s31;
	s0 =	sand.u32 $0x3C00, s0;
	[sflag:s21] =	ssyncadd.s32 $0xFFFFFF80  }
0x46: {  	s28 =	sand.u32 $0x380, s28;
	s0 =	sadd.s32 s4, s0;
	_ =	swait.ge [sflag:s29], $0x4000  }
0x47: {  	s0 =	sor.u32 s0, s28;
	[sflag:s29] =	ssyncset.done $0x0  }
0x48: {  	s0 =	sshrl.u32 s0, $0x3;
	[sflag:s29] =	ssyncadd.s32 $0xFFFFC000  }
0x49: {  	[spmem:s3] =	stream.indirect.scatter.add.f32 [tilespmem:s19], [sflag:$0x3], $0x80, s17, s18, $0xb8;
	[tilespmem:$0x1E900] =	vst v63  }
0x4a: {  	s0 =	sadd.s32 s2, s0  }
0x4b: {  	[tilespmem:s22], [sflag:$0x6] =	stream.linear.gather [hbm4b:s0+s5], $0x80, $0x38;
	[tilespmem:$0x1E900] =	vst v63  }
0x4c: {  	_ = 	snop  }
0x4d: {  	[tilespmem:s23], [sflag:$0x2] =	stream.indirect.gather [hbm4b:s6+s18], $0x80, s1, s18, $0xb8;
	[tilespmem:$0x1E900] =	vst v63  }
0x4e: {  	_ =	swait.ge [sflag:s24], $0x4000  }
0x4f: {  	[sflag:s24] =	ssyncset.done $0x0  }
0x50: {  	[sflag:s24] =	ssyncadd.s32 $0xFFFFC000  }
0x51: {  	_ =	swait.ge [sflag:s25], $0x80  }
0x52: {  	p0 =	seq.s32 s31, $0x2800;
	[sflag:s25] =	ssyncset.done $0x0  }
.Ltmp2:
0x53: {  	[sflag:s25] =	ssyncadd.s32 $0xFFFFFF80;
	(pc) =	sbr.rel @p0 .LBB2_4-.Ltmp2, $4  }
0x54: {  	_ =	swait.ge [sflag:s26], $0x4000  }
0x55: {  	[sflag:s26] =	ssyncset.done $0x0  }
0x56: {  	[sflag:s26] =	ssyncadd.s32 $0xFFFFC000  }
0x57: {  	[spmem:s3] =	stream.indirect.scatter.add.f32 [tilespmem:s23], [sflag:$0x4], $0x80, s22, s18, $0xb8;
	[tilespmem:$0x1E900] =	vst v63  }
0x58: {  	s0 =	sand.u32 $0x7C00, s31  }
0x59: {  	s28 =	sand.u32 $0x300, s31;
	s0 =	sadd.s32 s4, s0  }
0x5a: {  	s0 =	sor.u32 s28, s0  }
.Ltmp3:
0x5b: {  	s0 =	sshrl.u32 s0, $0x3;
	(pc) =	sbr.rel .LBB2_2-.Ltmp3, $4  }
0x5c: {  	s0 =	sadd.s32 s2, s0  }
0x5d: {  	[tilespmem:s17], [sflag:$0x5] =	stream.linear.gather [hbm4b:s0+s5], $0x80, $0x38;
	[tilespmem:$0x1E900] =	vst v63  }
0x5e: {  	s31 =	sadd.s32 $0x100, s31;
	s28 =	sadd.s32 $0x80, s1;
	s1 =	sadd.s32 $0x100, s1  }
0x5f: {  	[tilespmem:s19], [sflag:$0x1] =	stream.indirect.gather [hbm4b:s6+s18], $0x80, s28, s18, $0xb8;
	[tilespmem:$0x1E900] =	vst v63  }
.LBB2_5:
0x60: {  	_ =	sfence.sel $0x180000  }
0x61: {  	[bflag:$0x0] =	sbarrier.arrive $0xFFFF  }
0x62: {  	_ =	strace $0x9000004A  }
0x63: {  	s0 =	stileid.u32;
	[bflag:$0x2] =	sbarrier.arrive $0xFFFF  }
0x64: {  	p0 =	sne.s32 s0, $0x0;
	s0 =	rddreg [dreg:$0x3]  }
0x65: {  	s0 =	sadd.s32 @!p0 $0x100000, s0  }
0x66: {  	[sflag:s0] =	ssyncadd.tile.s32 @!p0 $0x1;
	_ =	shalt  }
.Lfunc_end2:
_tile_overlayer_lowered:
.L_overlay_start_2:
0x67: {  	(tag) =	ssettag $0x2  }
0x68: {  	s0 =	rddreg [dreg:$0x0];
	s2 =	stileid.u32  }
0x69: {  	s1 =	rddreg [dreg:$0x1];
	p0 =	sne.s32 s2, $0x0  }
0x6a: {  	s3 =	rddreg [dreg:$0x2];
	[bflag:$0x3] =	sbarrier.arrive $0xFFFF;
	s2 =	simm.s32 @!p0 $0x1C07  }
0x6b: {  	[timem:s3], [sflag:s2] =	dma.local @!p0 [hbm:s0], s1  }
0x6c: {  	s0 =	simm.s32 @!p0 $0x7  }
0x6d: {  	_ =	swait.ge @!p0 [sflag:s0], s1  }
0x6e: {  	s1 =	ssub.s32 @!p0 $0x0, s1;
	[sflag:s0] =	ssyncset.done @!p0 $0x0  }
0x6f: {  	[sflag:s0] =	ssyncadd.s32 @!p0 s1  }
0x70: {  	[bflag:$0x3] =	sbarrier.arrive $0xFFFF  }
0x71: {  	_ =	shalt  }

// kernel: kernel.14.cloned.1.call-start
scs
__scs_entry_jumppad:
0x0: {  	(pc) =	sbr.rel $0x88, $3  }
0x1: {  	(tag) =	ssettag $0x0;
	lr =	simm.s32 $0x1  }
0x2: {  	[smem:$0x3F9B] =	sst lr;
	_ =	strace $0xD0000000  }
0x3: {  	_ = 	snop  }
0x4: {  	_ = 	snop  }
0x5: {  	_ = 	snop  }
0x6: {  	_ = 	snop  }
0x7: {  	_ = 	snop  }
__scs_overlays_trampoline_lowered:
0x8: {  	[smem:$0x3FAA] =	sst s0  }
0x9: {  	[smem:$0x3FAB] =	sst s1  }
0xa: {  	[smem:$0x3FAC] =	sst s2  }
0xb: {  	[smem:$0x3FAD] =	sst s3  }
0xc: {  	[smem:$0x3FAE] =	sst s4  }
0xd: {  	[smem:$0x3FAF] =	sst s5  }
0xe: {  	[smem:$0x3FB0] =	sst s6  }
0xf: {  	[smem:$0x3FB1] =	sst s7  }
0x10: {  	[smem:$0x3FB2] =	sst s8  }
0x11: {  	[smem:$0x3FB3] =	sst s9;
	s0 =	simm.s32 @!p0 $0x0  }
0x12: {  	s1 =	sld [smem:$0x3F99];
	s0 =	simm.s32 @p0 $0x1  }
0x13: {  	[smem:$0x3FB4] =	sst s0;
	s0 =	simm.s32 @!p1 $0x0  }
0x14: {  	s2 =	sld [smem:$0x3F98];
	s0 =	simm.s32 @p1 $0x1  }
0x15: {  	[smem:$0x3FB5] =	sst s0;
	s0 =	simm.s32 @!p2 $0x0  }
0x16: {  	s3 =	sld [smem:$0x3FDB];
	s0 =	simm.s32 @p2 $0x1  }
0x17: {  	s4 =	simm.s32 $0x1BF5;
	[smem:$0x3FB7] =	sst s0  }
0x18: {  	s0 =	sld [smem:$0x3F9A];
	_ =	swait.ge [sflag:s4], $0x0  }
0x19: {  	s7 =	sld [smem:$0x3F9B]  }
0x1a: {  	s8 =	sadd.s32 $0xFFFFE003, lr  }
0x1b: {  	s9 =	sadd.s32 $0xFFFFFEF7, lr;
	s5 =	simm.s32 $0xFFFFFFFF;
	p2 =	slt.u32 s8, $0xFFFFF086  }
0x1c: {  	p1 =	slt.u32 s9, $0xF7A;
	s5 =	simm.s32 @!p2 $0x0  }
0x1d: {  	s5 =	simm.s32 @p1 $0x1;
	p0 =	seq.s32 s7, s2  }
0x1e: {  	s7 =	smul.u32 @!p0 $0xF7A, s2;
	p2 =	seq.s32 @!p0 s5, $0x0  }
0x1f: {  	s9 =	smul.u32 $0xF7A, s1;
	s8 =	simm.s32 @!p0 $0x1BF5;
	p2 =	por !p2, p0  }
0x20: {  	[sflag:s8] =	ssyncset.s32 @!p0 $0xFFFFF086;
	s6 =	sadd.s32 @!p0 s3, s7;
	s7 =	simm.s32 @!p0 $0x108  }
0x21: {  	s3 =	sadd.s32 s3, s9;
	s6 =	sadd.s32 @!p0 $0x88, s6;
	s7 =	simm.s32 @p2 $0x1082  }
0x22: {  	[simem:s7], [sflag:s8] =	dma.local @!p0 [hbm:s6], $0xF7A  }
0x23: {  	s9 =	sor.u32 $0xD0000000, s2;
	s6 =	simm.s32 $0x108;
	_ =	swait.ge @!p0 [sflag:s8], $0x0  }
0x24: {  	s3 =	sadd.s32 $0x88, s3;
	s6 =	simm.s32 @!p1 $0x1082;
	[sflag:s4] =	ssyncset.s32 $0xFFFFF086  }
0x25: {  	[simem:s6], [sflag:s4] =	dma.local [hbm:s3], $0xF7A  }
0x26: {  	[smem:$0x3F9B] =	sst s1;
	(tag) =	ssettag s2;
	_ =	strace s9  }
0x27: {  	s1 =	sld [smem:$0x3FAB]  }
0x28: {  	s2 =	sld [smem:$0x3FAC]  }
0x29: {  	s4 =	sld [smem:$0x3FAE]  }
0x2a: {  	p0 =	seq.s32 s5, $0x0;
	s5 =	sld [smem:$0x3FAF]  }
0x2b: {  	s6 =	sld [smem:$0x3FB0]  }
0x2c: {  	s7 =	sld [smem:$0x3FB1]  }
0x2d: {  	s3 =	simm.s32 $0x108;
	s8 =	sld [smem:$0x3FB2]  }
0x2e: {  	s3 =	simm.s32 @!p0 $0x1082;
	s9 =	sld [smem:$0x3FB3]  }
0x2f: {  	lr =	sadd.s32 s0, s3;
	s0 =	sld [smem:$0x3FAA]  }
0x30: {  	s3 =	sld [smem:$0x3FAD]  }
0x31: {  	[smem:$0x3FB6] =	sst s10  }
0x32: {  	s10 =	sld [smem:$0x3FB4];
	_ =	sdelay $0x3  }
0x33: {  	p0 =	seq.s32 s10, $0x1;
	s10 =	sld [smem:$0x3FB6];
	_ =	sdelay $0x3  }
0x34: {  	[smem:$0x3FB6] =	sst s10  }
0x35: {  	s10 =	sld [smem:$0x3FB5];
	_ =	sdelay $0x3  }
0x36: {  	p1 =	seq.s32 s10, $0x1;
	s10 =	sld [smem:$0x3FB6];
	_ =	sdelay $0x3  }
0x37: {  	[smem:$0x3FB6] =	sst s10  }
0x38: {  	s10 =	sld [smem:$0x3FB7]  }
0x39: {  	_ = 	snop;
	(pc) =	sbr.ind lr, $3  }
0x3a: {  	_ = 	snop  }
0x3b: {  	_ = 	snop  }
0x3c: {  	p2 =	seq.s32 s10, $0x1;
	s10 =	sld [smem:$0x3FB6]  }
0x3d: {  	_ =	shalt  }
0x3e: {  	_ =	shalt  }
0x3f: {  	_ =	shalt  }
0x40: {  	_ =	shalt  }
0x41: {  	_ =	shalt  }
0x42: {  	_ =	shalt  }
0x43: {  	_ =	shalt  }
0x44: {  	_ =	shalt  }
0x45: {  	_ =	shalt  }
0x46: {  	_ =	shalt  }
0x47: {  	_ =	shalt  }
0x48: {  	_ =	shalt  }
0x49: {  	_ =	shalt  }
0x4a: {  	_ =	shalt  }
0x4b: {  	_ =	shalt  }
0x4c: {  	_ =	shalt  }
0x4d: {  	_ =	shalt  }
0x4e: {  	_ =	shalt  }
0x4f: {  	_ =	shalt  }
0x50: {  	_ =	shalt  }
0x51: {  	_ =	shalt  }
0x52: {  	_ =	shalt  }
0x53: {  	_ =	shalt  }
0x54: {  	_ =	shalt  }
0x55: {  	_ =	shalt  }
0x56: {  	_ =	shalt  }
0x57: {  	_ =	shalt  }
0x58: {  	_ =	shalt  }
0x59: {  	_ =	shalt  }
0x5a: {  	_ =	shalt  }
0x5b: {  	_ =	shalt  }
0x5c: {  	_ =	shalt  }
0x5d: {  	_ =	shalt  }
0x5e: {  	_ =	shalt  }
0x5f: {  	_ =	shalt  }
0x60: {  	_ =	shalt  }
0x61: {  	_ =	shalt  }
0x62: {  	_ =	shalt  }
0x63: {  	_ =	shalt  }
0x64: {  	_ =	shalt  }
0x65: {  	_ =	shalt  }
0x66: {  	_ =	shalt  }
0x67: {  	_ =	shalt  }
0x68: {  	_ =	shalt  }
0x69: {  	_ =	shalt  }
0x6a: {  	_ =	shalt  }
0x6b: {  	_ =	shalt  }
0x6c: {  	_ =	shalt  }
0x6d: {  	_ =	shalt  }
0x6e: {  	_ =	shalt  }
0x6f: {  	_ =	shalt  }
0x70: {  	_ =	shalt  }
0x71: {  	_ =	shalt  }
0x72: {  	_ =	shalt  }
0x73: {  	_ =	shalt  }
0x74: {  	_ =	shalt  }
0x75: {  	_ =	shalt  }
0x76: {  	_ =	shalt  }
0x77: {  	_ =	shalt  }
0x78: {  	_ =	shalt  }
0x79: {  	_ =	shalt  }
0x7a: {  	_ =	shalt  }
0x7b: {  	_ =	shalt  }
0x7c: {  	_ =	shalt  }
0x7d: {  	_ =	shalt  }
0x7e: {  	_ =	shalt  }
0x7f: {  	_ =	shalt  }
0x80: {  	_ =	shalt  }
0x81: {  	_ =	shalt  }
0x82: {  	_ =	shalt  }
0x83: {  	_ =	shalt  }
0x84: {  	_ =	shalt  }
0x85: {  	_ =	shalt  }
0x86: {  	_ =	shalt  }
0x87: {  	_ =	shalt  }
.Lfunc_end0:
.L_simem_size_0:
called_computation.2_lowered:
.L_overlay_start_0:
0x88: {  	s2 =	sld [smem:$0x3FD9]  }
0x89: {  	s3 =	sld [smem:$0x3FFE];
	_ =	sdelay $0x1  }
0x8a: {  	s1 =	srdreg.scid  }
0x8b: {  	s0 =	sand.u32 $0x1, s1  }
0x8c: {  	s17 =	sshll.u32 s0, $0xA;
	s2 =	sadd.s32 s3, s2  }
0x8d: {  	s2 =	sadd.s32 s2, s17  }
0x8e: {  	[smem:$0x3FC2] =	sst s2  }
0x8f: {  	_ = 	snop  }
0x90: {  	s2 =	sld [smem:$0x3FD0];
	(tm) =	ssettm $0x1  }
0x91: {  	s18 =	sld [smem:$0x3FFB];
	_ =	sdelay $0x3  }
0x92: {  	_ =	strace s18  }
0x93: {  	s3 =	sld [smem:$0x3FFC];
	_ =	sdelay $0x3  }
0x94: {  	_ =	strace s3  }
0x95: {  	s3 =	sld [smem:$0x3FFD];
	_ =	sdelay $0x3  }
0x96: {  	_ =	strace s3  }
0x97: {  	_ =	strace $0x8FFFFFFF  }
0x98: {  	s19 =	sld [smem:$0x3FDB];
	_ =	sdelay $0x1  }
0x99: {  	s4 =	simm.s32 $_scs_section_size  }
0x9a: {  	s5 =	simm.s32 $_size__tile_overlayer_lowered;
	s6 =	simm.s32 $_tile_overlayer_lowered  }
0x9b: {  	s22 =	simm.s32 $0x1BFF;
	s21 =	sshll.u32 s6, $0x1;
	s3 =	sadd.s32 s4, s19  }
0x9c: {  	s7 =	simm.s32 $0x0;
	s20 =	sshll.u32 s5, $0x1;
	s5 =	sadd.s32 s21, s3  }
0x9d: {  	[timem:s7], [sflag:s22] =	dma.local [hbm:s5], s20  }
0x9e: {  	_ =	swait.ge [sflag:s22], s20  }
0x9f: {  	s4 =	ssub.s32 $0x0, s20;
	[sflag:s22] =	ssyncset.done $0x0  }
0xa0: {  	[sflag:s22] =	ssyncadd.s32 s4;
	_ =	sdelay $0x1  }
0xa1: {  	s23 =	simm.s32 $0x1B8B  }
0xa2: {  	_ =	swait.ge [sflag:s23], $0x1  }
0xa3: {  	[sflag:s23] =	ssyncset.done $0x0  }
0xa4: {  	s25 =	simm.s32 $0x1B8E;
	s24 =	sld [smem:$0x3FFE];
	[sflag:s23] =	ssyncadd.s32 $0xFFFFFFFF  }
0xa5: {  	s26 =	simm.s32 $execute0_lowered;
	[smem:$0x3FD2] =	sst s25  }
0xa6: {  	s5 =	sshll.u32 s26, $0x1;
	_ =	strace $0x8000004C;
	[dreg:$0x1] =	wrdreg $0xFFFFFFFF  }
0xa7: {  	s28 =	simm.s32 $_size_execute0_lowered;
	s3 =	sadd.s32 s3, s5;
	[dreg:$0x0] =	wrdreg $0x0  }
0xa8: {  	s5 =	sshll.u32 s28, $0x1;
	[dreg:$0x2] =	wrdreg s3  }
0xa9: {  	[dreg:$0x3] =	wrdreg s5  }
0xaa: {  	[dreg:$0x4] =	wrdreg $0xC0  }
0xab: {  	_ =	task [dreg:s7], $0x5FFFF  }
0xac: {  	[dreg:$0x1] =	wrdreg $0xFFFFFFFF  }
0xad: {  	[dreg:$0x0] =	wrdreg $0x60  }
0xae: {  	[dreg:$0x2] =	wrdreg s24  }
0xaf: {  	[dreg:$0x3] =	wrdreg s2  }
0xb0: {  	[dreg:$0x4] =	wrdreg $0xA9000  }
0xb1: {  	[dreg:$0x5] =	wrdreg $0x9  }
0xb2: {  	_ =	task.clear_ibuf [dreg:s7], $0x6FFFF;
	_ =	strace $0x9000004C  }
0xb3: {  	s29 =	simm.s32 $0x9;
	_ =	strace $0x8000004E  }
0xb4: {  	_ =	swait.ge [sflag:s29], $0x1  }
0xb5: {  	[sflag:s29] =	ssyncadd.s32 $0xFFFFFFFF  }
0xb6: {  	_ =	strace $0x9000004E  }
0xb7: {  	_ =	sfence  }
0xb8: {  	s30 =	sld [smem:$0x0];
	_ =	sdelay $0x2  }
0xb9: {  	s31 =	sshll.u32 s1, $0xD;
	s1 =	sshrl.u32 s1, $0x2  }
0xba: {  	s3 =	sand.u32 $0x4000, s31;
	s1 =	sadd.s32 s1, s30  }
0xbb: {  	s0 =	sor.u32 s3, s0;
	s1 =	sshll.u32 s1, $0x11  }
0xbc: {  	s0 =	sor.u32 s1, s0  }
0xbd: {  	s0 =	sadd.s32 $0x8F2B, s0  }
0xbe: {  	[sflag:s0] =	ssyncadd.remote.s32 $0x1  }
0xbf: {  	_ =	sfence.sel $0xFFFF  }
0xc0: {  	[dreg:$0x0] =	wrdreg $0xFFFFFFFF;
	(pc) =	sbr.abs _section_cstart, $3  }
0xc1: {  	[dreg:$0x1] =	wrdreg $0xFFFFFFFF  }
0xc2: {  	_ =	task.clear_ibuf [dreg:s7], $0x2FFFF;
	_ =	strace $0x9FFFFFFF  }
0xc3: {  	(tm) =	ssettm $0x7FFFFFFF  }
tec
execute0_lowered:
.L_overlay_start_1:
0x0: {  	(tag) =	ssettag $0x1  }
0x1: {  	s0 =	srdreg.scid;
	s7 =	rddreg [dreg:$0x0]  }
0x2: {  	s24 =	stileid.u32;
	s2 =	rddreg [dreg:$0x1]  }
0x3: {  	s5 =	simm.s32 $0x0;
	s16 =	simm.s32 $0x7;
	s17 =	simm.s32 $0x2800  }
0x4: {  	s18 =	simm.s32 $0x80;
	s19 =	simm.s32 $0x2900;
	s20 =	simm.s32 $0x1  }
0x5: {  	s21 =	simm.s32 $0x5;
	s22 =	simm.s32 $0x2880;
	s23 =	simm.s32 $0x6900  }
0x6: {  	s29 =	simm.s32 $0x4;
	s30 =	simm.s32 $0x0;
	s1 =	sand.u32 $0x1, s0  }
0x7: {  	s8 =	smul.u32 $0x14000, s24;
	[smem:$0x7FF] =	sst s5;
	s6 =	sadd.s32 $0x2A600, s7  }
0x8: {  	s25 =	smul.u32 $0x50000, s24;
	s31 =	sshll.u32 s24, $0x6;
	s3 =	sshll.u32 s1, $0x4  }
0x9: {  	s9 =	smul.u32 $0x140000, s1;
	s1 =	ssub.s32 $0x2, s1;
	s4 =	sor.u32 s24, s3  }
0xa: {  	s3 =	rddreg [dreg:$0x2];
	_ =	strace $0x8000004D;
	s12 =	sshrl.u32 s8, $0x3  }
0xb: {  	s26 =	sshrl.u32 s1, $0x1;
	s28 =	sshrl.u32 s25, $0x2;
	s24 =	simm.s32 $0x2  }
0xc: {  	s25 =	simm.s32 $0x6;
	s4 =	smul.u32 $0x2800, s4;
	s8 =	sadd.s32 s8, s9  }
0xd: {  	s12 =	sadd.s32 s12, s7;
	s1 =	ssub.s32 s1, s26;
	s15 =	sadd.s32 s28, s3  }
.Ltmp0:
0xe: {  	s26 =	simm.s32 $0x3;
	s8 =	sshrl.u32 s8, $0x3;
	(pc) =	sbr.rel .LBB2_1-.Ltmp0, $4  }
0xf: {  	s15 =	sshrl.u32 s15, $0x3;
	s10 =	sshrl.u32 s4, $0x3;
	s13 =	sadd.s32 s8, s7  }
0x10: {  	s8 =	sor.u32 $0x1C07, s31;
	s11 =	sadd.s32 s10, s7;
	s7 =	sadd.s32 $0x2600, s12  }
0x11: {  	s10 =	sadd.s32 s2, s10;
	s12 =	smax.u32 s1, $0x1;
	s9 =	sadd.s32 $0x7AE00, s11  }
0x12: {  	s11 =	sadd.s32 $0x84E00, s13;
	s13 =	sadd.s32 $0x10, s10;
	s14 =	sadd.s32 $0x20, s10  }
.LBB2_4:
0x13: {  	_ =	swait.ge [sflag:s29], $0x4000  }
0x14: {  	s30 =	sadd.s32 $0x1, s30;
	[sflag:s29] =	ssyncset.done $0x0  }
0x15: {  	p0 =	sne.s32 s30, s12;
	[sflag:s29] =	ssyncadd.s32 $0xFFFFC000  }
.Ltmp1:
0x16: {  	[bflag:$0x0] =	sbarrier.arrive $0xFFFF;
	(pc) =	sbr.rel @!p0 .LBB2_5-.Ltmp1, $4  }
0x17: {  	[hbm:s11], [sflag:s8] =	dma.local [spmem:s15], $0x2800  }
0x18: {  	_ =	swait.ge [sflag:s16], $0x2800  }
0x19: {  	[sflag:s16] =	ssyncset.done $0x0  }
0x1a: {  	[sflag:s16] =	ssyncadd.s32 $0xFFFFD800  }
.LBB2_1:
0x1b: {  	[spmem:s15], [sflag:s8] =	dma.local [hbm:s7], $0x2800  }
0x1c: {  	_ =	swait.ge [sflag:s16], $0x2800  }
0x1d: {  	[sflag:s16] =	ssyncset.done $0x0  }
0x1e: {  	[sflag:s16] =	ssyncadd.s32 $0xFFFFD800  }
0x1f: {  	[tilespmem:s5], [sflag:$0x7] =	stream.linear.gather [hbm4b:s9+s5], $0x2800, $0x38;
	[tilespmem:$0x1E900] =	vst v63  }
0x20: {  	_ =	swait.ge [sflag:s16], $0x2800  }
0x21: {  	[sflag:s16] =	ssyncset.done $0x0  }
0x22: {  	[sflag:s16] =	ssyncadd.s32 $0xFFFFD800  }
0x23: {  	[tilespmem:s17], [sflag:$0x5] =	stream.linear.gather [hbm4b:s10+s5], $0x80, $0x38;
	[tilespmem:$0x1E900] =	vst v63  }
0x24: {  	_ = 	snop  }
0x25: {  	[tilespmem:s19], [sflag:$0x1] =	stream.indirect.gather [hbm4b:s6+s18], $0x80, s5, s18, $0xb8;
	[tilespmem:$0x1E900] =	vst v63  }
0x26: {  	[bflag:$0x0] =	sbarrier.arrive $0xFFFF  }
0x27: {  	_ =	swait.ge [sflag:s20], $0x4000  }
0x28: {  	[sflag:s20] =	ssyncset.done $0x0  }
0x29: {  	[sflag:s20] =	ssyncadd.s32 $0xFFFFC000  }
0x2a: {  	_ =	swait.ge [sflag:s21], $0x80  }
0x2b: {  	[sflag:s21] =	ssyncset.done $0x0  }
0x2c: {  	[sflag:s21] =	ssyncadd.s32 $0xFFFFFF80  }
0x2d: {  	[spmem:s3] =	stream.indirect.scatter.add.f32 [tilespmem:s19], [sflag:$0x3], $0x80, s17, s18, $0xb8;
	[tilespmem:$0x1E900] =	vst v63  }
0x2e: {  	_ = 	snop  }
0x2f: {  	[tilespmem:s22], [sflag:$0x6] =	stream.linear.gather [hbm4b:s13+s5], $0x80, $0x38;
	[tilespmem:$0x1E900] =	vst v63  }
0x30: {  	_ = 	snop  }
0x31: {  	[tilespmem:s23], [sflag:$0x2] =	stream.indirect.gather [hbm4b:s6+s18], $0x80, s18, s18, $0xb8;
	[tilespmem:$0x1E900] =	vst v63  }
0x32: {  	_ =	swait.ge [sflag:s24], $0x4000  }
0x33: {  	[sflag:s24] =	ssyncset.done $0x0  }
0x34: {  	[sflag:s24] =	ssyncadd.s32 $0xFFFFC000  }
0x35: {  	_ =	swait.ge [sflag:s25], $0x80  }
0x36: {  	[sflag:s25] =	ssyncset.done $0x0  }
0x37: {  	[sflag:s25] =	ssyncadd.s32 $0xFFFFFF80  }
0x38: {  	_ =	swait.ge [sflag:s26], $0x4000  }
0x39: {  	[sflag:s26] =	ssyncset.done $0x0  }
0x3a: {  	[sflag:s26] =	ssyncadd.s32 $0xFFFFC000  }
0x3b: {  	[spmem:s3] =	stream.indirect.scatter.add.f32 [tilespmem:s23], [sflag:$0x4], $0x80, s22, s18, $0xb8;
	[tilespmem:$0x1E900] =	vst v63  }
0x3c: {  	_ = 	snop  }
0x3d: {  	[tilespmem:s17], [sflag:$0x5] =	stream.linear.gather [hbm4b:s14+s5], $0x80, $0x38;
	[tilespmem:$0x1E900] =	vst v63  }
0x3e: {  	s0 =	simm.s32 $0x100;
	s31 =	simm.s32 $0x200;
	s1 =	simm.s32 $0x180  }
0x3f: {  	[tilespmem:s19], [sflag:$0x1] =	stream.indirect.gather [hbm4b:s6+s18], $0x80, s0, s18, $0xb8;
	[tilespmem:$0x1E900] =	vst v63  }
.LBB2_2:
0x40: {  	_ =	swait.ge [sflag:s20], $0x4000  }
0x41: {  	[sflag:s20] =	ssyncset.done $0x0  }
0x42: {  	[sflag:s20] =	ssyncadd.s32 $0xFFFFC000  }
0x43: {  	_ =	swait.ge [sflag:s21], $0x80  }
0x44: {  	s0 =	sadd.s32 $0xFFFFFF00, s31;
	[sflag:s21] =	ssyncset.done $0x0  }
0x45: {  	s28 =	sadd.s32 $0xFFFFFF80, s31;
	s0 =	sand.u32 $0x3C00, s0;
	[sflag:s21] =	ssyncadd.s32 $0xFFFFFF80  }
0x46: {  	s28 =	sand.u32 $0x380, s28;
	s0 =	sadd.s32 s4, s0;
	_ =	swait.ge [sflag:s29], $0x4000  }
0x47: {  	s0 =	sor.u32 s0, s28;
	[sflag:s29] =	ssyncset.done $0x0  }
0x48: {  	s0 =	sshrl.u32 s0, $0x3;
	[sflag:s29] =	ssyncadd.s32 $0xFFFFC000  }
0x49: {  	[spmem:s3] =	stream.indirect.scatter.add.f32 [tilespmem:s19], [sflag:$0x3], $0x80, s17, s18, $0xb8;
	[tilespmem:$0x1E900] =	vst v63  }
0x4a: {  	s0 =	sadd.s32 s2, s0  }
0x4b: {  	[tilespmem:s22], [sflag:$0x6] =	stream.linear.gather [hbm4b:s0+s5], $0x80, $0x38;
	[tilespmem:$0x1E900] =	vst v63  }
0x4c: {  	_ = 	snop  }
0x4d: {  	[tilespmem:s23], [sflag:$0x2] =	stream.indirect.gather [hbm4b:s6+s18], $0x80, s1, s18, $0xb8;
	[tilespmem:$0x1E900] =	vst v63  }
0x4e: {  	_ =	swait.ge [sflag:s24], $0x4000  }
0x4f: {  	[sflag:s24] =	ssyncset.done $0x0  }
0x50: {  	[sflag:s24] =	ssyncadd.s32 $0xFFFFC000  }
0x51: {  	_ =	swait.ge [sflag:s25], $0x80  }
0x52: {  	p0 =	seq.s32 s31, $0x2800;
	[sflag:s25] =	ssyncset.done $0x0  }
.Ltmp2:
0x53: {  	[sflag:s25] =	ssyncadd.s32 $0xFFFFFF80;
	(pc) =	sbr.rel @p0 .LBB2_4-.Ltmp2, $4  }
0x54: {  	_ =	swait.ge [sflag:s26], $0x4000  }
0x55: {  	[sflag:s26] =	ssyncset.done $0x0  }
0x56: {  	[sflag:s26] =	ssyncadd.s32 $0xFFFFC000  }
0x57: {  	[spmem:s3] =	stream.indirect.scatter.add.f32 [tilespmem:s23], [sflag:$0x4], $0x80, s22, s18, $0xb8;
	[tilespmem:$0x1E900] =	vst v63  }
0x58: {  	s0 =	sand.u32 $0x7C00, s31  }
0x59: {  	s28 =	sand.u32 $0x300, s31;
	s0 =	sadd.s32 s4, s0  }
0x5a: {  	s0 =	sor.u32 s28, s0  }
.Ltmp3:
0x5b: {  	s0 =	sshrl.u32 s0, $0x3;
	(pc) =	sbr.rel .LBB2_2-.Ltmp3, $4  }
0x5c: {  	s0 =	sadd.s32 s2, s0  }
0x5d: {  	[tilespmem:s17], [sflag:$0x5] =	stream.linear.gather [hbm4b:s0+s5], $0x80, $0x38;
	[tilespmem:$0x1E900] =	vst v63  }
0x5e: {  	s31 =	sadd.s32 $0x100, s31;
	s28 =	sadd.s32 $0x80, s1;
	s1 =	sadd.s32 $0x100, s1  }
0x5f: {  	[tilespmem:s19], [sflag:$0x1] =	stream.indirect.gather [hbm4b:s6+s18], $0x80, s28, s18, $0xb8;
	[tilespmem:$0x1E900] =	vst v63  }
.LBB2_5:
0x60: {  	_ =	sfence.sel $0x180000  }
0x61: {  	[bflag:$0x0] =	sbarrier.arrive $0xFFFF  }
0x62: {  	_ =	strace $0x9000004D  }
0x63: {  	s0 =	stileid.u32;
	[bflag:$0x2] =	sbarrier.arrive $0xFFFF  }
0x64: {  	p0 =	sne.s32 s0, $0x0;
	s0 =	rddreg [dreg:$0x3]  }
0x65: {  	s0 =	sadd.s32 @!p0 $0x100000, s0  }
0x66: {  	[sflag:s0] =	ssyncadd.tile.s32 @!p0 $0x1;
	_ =	shalt  }
.Lfunc_end2:
_tile_overlayer_lowered:
.L_overlay_start_2:
0x67: {  	(tag) =	ssettag $0x2  }
0x68: {  	s0 =	rddreg [dreg:$0x0];
	s2 =	stileid.u32  }
0x69: {  	s1 =	rddreg [dreg:$0x1];
	p0 =	sne.s32 s2, $0x0  }
0x6a: {  	s3 =	rddreg [dreg:$0x2];
	[bflag:$0x3] =	sbarrier.arrive $0xFFFF;
	s2 =	simm.s32 @!p0 $0x1C07  }
0x6b: {  	[timem:s3], [sflag:s2] =	dma.local @!p0 [hbm:s0], s1  }
0x6c: {  	s0 =	simm.s32 @!p0 $0x7  }
0x6d: {  	_ =	swait.ge @!p0 [sflag:s0], s1  }
0x6e: {  	s1 =	ssub.s32 @!p0 $0x0, s1;
	[sflag:s0] =	ssyncset.done @!p0 $0x0  }
0x6f: {  	[sflag:s0] =	ssyncadd.s32 @!p0 s1  }
0x70: {  	[bflag:$0x3] =	sbarrier.arrive $0xFFFF  }
0x71: {  	_ =	shalt  }

// kernel: kernel.8.cloned.1.call-start
scs
__scs_entry_jumppad:
0x0: {  	(pc) =	sbr.rel $0x88, $3  }
0x1: {  	(tag) =	ssettag $0x0;
	lr =	simm.s32 $0x1  }
0x2: {  	[smem:$0x3F9B] =	sst lr;
	_ =	strace $0xD0000000  }
0x3: {  	_ = 	snop  }
0x4: {  	_ = 	snop  }
0x5: {  	_ = 	snop  }
0x6: {  	_ = 	snop  }
0x7: {  	_ = 	snop  }
__scs_overlays_trampoline_lowered:
0x8: {  	[smem:$0x3FAA] =	sst s0  }
0x9: {  	[smem:$0x3FAB] =	sst s1  }
0xa: {  	[smem:$0x3FAC] =	sst s2  }
0xb: {  	[smem:$0x3FAD] =	sst s3  }
0xc: {  	[smem:$0x3FAE] =	sst s4  }
0xd: {  	[smem:$0x3FAF] =	sst s5  }
0xe: {  	[smem:$0x3FB0] =	sst s6  }
0xf: {  	[smem:$0x3FB1] =	sst s7  }
0x10: {  	[smem:$0x3FB2] =	sst s8  }
0x11: {  	[smem:$0x3FB3] =	sst s9;
	s0 =	simm.s32 @!p0 $0x0  }
0x12: {  	s1 =	sld [smem:$0x3F99];
	s0 =	simm.s32 @p0 $0x1  }
0x13: {  	[smem:$0x3FB4] =	sst s0;
	s0 =	simm.s32 @!p1 $0x0  }
0x14: {  	s2 =	sld [smem:$0x3F98];
	s0 =	simm.s32 @p1 $0x1  }
0x15: {  	[smem:$0x3FB5] =	sst s0;
	s0 =	simm.s32 @!p2 $0x0  }
0x16: {  	s3 =	sld [smem:$0x3FDB];
	s0 =	simm.s32 @p2 $0x1  }
0x17: {  	s4 =	simm.s32 $0x1BF5;
	[smem:$0x3FB7] =	sst s0  }
0x18: {  	s0 =	sld [smem:$0x3F9A];
	_ =	swait.ge [sflag:s4], $0x0  }
0x19: {  	s7 =	sld [smem:$0x3F9B]  }
0x1a: {  	s8 =	sadd.s32 $0xFFFFE003, lr  }
0x1b: {  	s9 =	sadd.s32 $0xFFFFFEF7, lr;
	s5 =	simm.s32 $0xFFFFFFFF;
	p2 =	slt.u32 s8, $0xFFFFF086  }
0x1c: {  	p1 =	slt.u32 s9, $0xF7A;
	s5 =	simm.s32 @!p2 $0x0  }
0x1d: {  	s5 =	simm.s32 @p1 $0x1;
	p0 =	seq.s32 s7, s2  }
0x1e: {  	s7 =	smul.u32 @!p0 $0xF7A, s2;
	p2 =	seq.s32 @!p0 s5, $0x0  }
0x1f: {  	s9 =	smul.u32 $0xF7A, s1;
	s8 =	simm.s32 @!p0 $0x1BF5;
	p2 =	por !p2, p0  }
0x20: {  	[sflag:s8] =	ssyncset.s32 @!p0 $0xFFFFF086;
	s6 =	sadd.s32 @!p0 s3, s7;
	s7 =	simm.s32 @!p0 $0x108  }
0x21: {  	s3 =	sadd.s32 s3, s9;
	s6 =	sadd.s32 @!p0 $0x88, s6;
	s7 =	simm.s32 @p2 $0x1082  }
0x22: {  	[simem:s7], [sflag:s8] =	dma.local @!p0 [hbm:s6], $0xF7A  }
0x23: {  	s9 =	sor.u32 $0xD0000000, s2;
	s6 =	simm.s32 $0x108;
	_ =	swait.ge @!p0 [sflag:s8], $0x0  }
0x24: {  	s3 =	sadd.s32 $0x88, s3;
	s6 =	simm.s32 @!p1 $0x1082;
	[sflag:s4] =	ssyncset.s32 $0xFFFFF086  }
0x25: {  	[simem:s6], [sflag:s4] =	dma.local [hbm:s3], $0xF7A  }
0x26: {  	[smem:$0x3F9B] =	sst s1;
	(tag) =	ssettag s2;
	_ =	strace s9  }
0x27: {  	s1 =	sld [smem:$0x3FAB]  }
0x28: {  	s2 =	sld [smem:$0x3FAC]  }
0x29: {  	s4 =	sld [smem:$0x3FAE]  }
0x2a: {  	p0 =	seq.s32 s5, $0x0;
	s5 =	sld [smem:$0x3FAF]  }
0x2b: {  	s6 =	sld [smem:$0x3FB0]  }
0x2c: {  	s7 =	sld [smem:$0x3FB1]  }
0x2d: {  	s3 =	simm.s32 $0x108;
	s8 =	sld [smem:$0x3FB2]  }
0x2e: {  	s3 =	simm.s32 @!p0 $0x1082;
	s9 =	sld [smem:$0x3FB3]  }
0x2f: {  	lr =	sadd.s32 s0, s3;
	s0 =	sld [smem:$0x3FAA]  }
0x30: {  	s3 =	sld [smem:$0x3FAD]  }
0x31: {  	[smem:$0x3FB6] =	sst s10  }
0x32: {  	s10 =	sld [smem:$0x3FB4];
	_ =	sdelay $0x3  }
0x33: {  	p0 =	seq.s32 s10, $0x1;
	s10 =	sld [smem:$0x3FB6];
	_ =	sdelay $0x3  }
0x34: {  	[smem:$0x3FB6] =	sst s10  }
0x35: {  	s10 =	sld [smem:$0x3FB5];
	_ =	sdelay $0x3  }
0x36: {  	p1 =	seq.s32 s10, $0x1;
	s10 =	sld [smem:$0x3FB6];
	_ =	sdelay $0x3  }
0x37: {  	[smem:$0x3FB6] =	sst s10  }
0x38: {  	s10 =	sld [smem:$0x3FB7]  }
0x39: {  	_ = 	snop;
	(pc) =	sbr.ind lr, $3  }
0x3a: {  	_ = 	snop  }
0x3b: {  	_ = 	snop  }
0x3c: {  	p2 =	seq.s32 s10, $0x1;
	s10 =	sld [smem:$0x3FB6]  }
0x3d: {  	_ =	shalt  }
0x3e: {  	_ =	shalt  }
0x3f: {  	_ =	shalt  }
0x40: {  	_ =	shalt  }
0x41: {  	_ =	shalt  }
0x42: {  	_ =	shalt  }
0x43: {  	_ =	shalt  }
0x44: {  	_ =	shalt  }
0x45: {  	_ =	shalt  }
0x46: {  	_ =	shalt  }
0x47: {  	_ =	shalt  }
0x48: {  	_ =	shalt  }
0x49: {  	_ =	shalt  }
0x4a: {  	_ =	shalt  }
0x4b: {  	_ =	shalt  }
0x4c: {  	_ =	shalt  }
0x4d: {  	_ =	shalt  }
0x4e: {  	_ =	shalt  }
0x4f: {  	_ =	shalt  }
0x50: {  	_ =	shalt  }
0x51: {  	_ =	shalt  }
0x52: {  	_ =	shalt  }
0x53: {  	_ =	shalt  }
0x54: {  	_ =	shalt  }
0x55: {  	_ =	shalt  }
0x56: {  	_ =	shalt  }
0x57: {  	_ =	shalt  }
0x58: {  	_ =	shalt  }
0x59: {  	_ =	shalt  }
0x5a: {  	_ =	shalt  }
0x5b: {  	_ =	shalt  }
0x5c: {  	_ =	shalt  }
0x5d: {  	_ =	shalt  }
0x5e: {  	_ =	shalt  }
0x5f: {  	_ =	shalt  }
0x60: {  	_ =	shalt  }
0x61: {  	_ =	shalt  }
0x62: {  	_ =	shalt  }
0x63: {  	_ =	shalt  }
0x64: {  	_ =	shalt  }
0x65: {  	_ =	shalt  }
0x66: {  	_ =	shalt  }
0x67: {  	_ =	shalt  }
0x68: {  	_ =	shalt  }
0x69: {  	_ =	shalt  }
0x6a: {  	_ =	shalt  }
0x6b: {  	_ =	shalt  }
0x6c: {  	_ =	shalt  }
0x6d: {  	_ =	shalt  }
0x6e: {  	_ =	shalt  }
0x6f: {  	_ =	shalt  }
0x70: {  	_ =	shalt  }
0x71: {  	_ =	shalt  }
0x72: {  	_ =	shalt  }
0x73: {  	_ =	shalt  }
0x74: {  	_ =	shalt  }
0x75: {  	_ =	shalt  }
0x76: {  	_ =	shalt  }
0x77: {  	_ =	shalt  }
0x78: {  	_ =	shalt  }
0x79: {  	_ =	shalt  }
0x7a: {  	_ =	shalt  }
0x7b: {  	_ =	shalt  }
0x7c: {  	_ =	shalt  }
0x7d: {  	_ =	shalt  }
0x7e: {  	_ =	shalt  }
0x7f: {  	_ =	shalt  }
0x80: {  	_ =	shalt  }
0x81: {  	_ =	shalt  }
0x82: {  	_ =	shalt  }
0x83: {  	_ =	shalt  }
0x84: {  	_ =	shalt  }
0x85: {  	_ =	shalt  }
0x86: {  	_ =	shalt  }
0x87: {  	_ =	shalt  }
.Lfunc_end0:
.L_simem_size_0:
called_computation_lowered:
.L_overlay_start_0:
0x88: {  	s2 =	sld [smem:$0x3FD9]  }
0x89: {  	s3 =	sld [smem:$0x3FFE];
	_ =	sdelay $0x1  }
0x8a: {  	s1 =	srdreg.scid  }
0x8b: {  	s0 =	sand.u32 $0x1, s1  }
0x8c: {  	s17 =	sshll.u32 s0, $0xA;
	s2 =	sadd.s32 s3, s2  }
0x8d: {  	s2 =	sadd.s32 s2, s17  }
0x8e: {  	[smem:$0x3FC2] =	sst s2  }
0x8f: {  	_ = 	snop  }
0x90: {  	s2 =	sld [smem:$0x3FD0];
	(tm) =	ssettm $0x1  }
0x91: {  	s18 =	sld [smem:$0x3FFB];
	_ =	sdelay $0x3  }
0x92: {  	_ =	strace s18  }
0x93: {  	s3 =	sld [smem:$0x3FFC];
	_ =	sdelay $0x3  }
0x94: {  	_ =	strace s3  }
0x95: {  	s3 =	sld [smem:$0x3FFD];
	_ =	sdelay $0x3  }
0x96: {  	_ =	strace s3  }
0x97: {  	_ =	strace $0x8FFFFFFF  }
0x98: {  	s19 =	sld [smem:$0x3FDB];
	_ =	sdelay $0x1  }
0x99: {  	s4 =	simm.s32 $_scs_section_size  }
0x9a: {  	s5 =	simm.s32 $_size__tile_overlayer_lowered;
	s6 =	simm.s32 $_tile_overlayer_lowered  }
0x9b: {  	s22 =	simm.s32 $0x1BFF;
	s21 =	sshll.u32 s6, $0x1;
	s3 =	sadd.s32 s4, s19  }
0x9c: {  	s7 =	simm.s32 $0x0;
	s20 =	sshll.u32 s5, $0x1;
	s5 =	sadd.s32 s21, s3  }
0x9d: {  	[timem:s7], [sflag:s22] =	dma.local [hbm:s5], s20  }
0x9e: {  	_ =	swait.ge [sflag:s22], s20  }
0x9f: {  	s4 =	ssub.s32 $0x0, s20;
	[sflag:s22] =	ssyncset.done $0x0  }
0xa0: {  	[sflag:s22] =	ssyncadd.s32 s4;
	_ =	sdelay $0x1  }
0xa1: {  	s23 =	simm.s32 $0x1B8B  }
0xa2: {  	_ =	swait.ge [sflag:s23], $0x1  }
0xa3: {  	[sflag:s23] =	ssyncset.done $0x0  }
0xa4: {  	s25 =	simm.s32 $0x1B8E;
	s24 =	sld [smem:$0x3FFE];
	[sflag:s23] =	ssyncadd.s32 $0xFFFFFFFF  }
0xa5: {  	s26 =	simm.s32 $execute0_lowered;
	[smem:$0x3FD2] =	sst s25  }
0xa6: {  	s5 =	sshll.u32 s26, $0x1;
	_ =	strace $0x80000046;
	[dreg:$0x1] =	wrdreg $0xFFFFFFFF  }
0xa7: {  	s28 =	simm.s32 $_size_execute0_lowered;
	s3 =	sadd.s32 s3, s5;
	[dreg:$0x0] =	wrdreg $0x0  }
0xa8: {  	s5 =	sshll.u32 s28, $0x1;
	[dreg:$0x2] =	wrdreg s3  }
0xa9: {  	[dreg:$0x3] =	wrdreg s5  }
0xaa: {  	[dreg:$0x4] =	wrdreg $0xC0  }
0xab: {  	_ =	task [dreg:s7], $0x5FFFF  }
0xac: {  	[dreg:$0x1] =	wrdreg $0xFFFFFFFF  }
0xad: {  	[dreg:$0x0] =	wrdreg $0x60  }
0xae: {  	[dreg:$0x2] =	wrdreg s2  }
0xaf: {  	[dreg:$0x3] =	wrdreg s24  }
0xb0: {  	[dreg:$0x4] =	wrdreg $0x68000  }
0xb1: {  	[dreg:$0x5] =	wrdreg $0x9  }
0xb2: {  	_ =	task.clear_ibuf [dreg:s7], $0x6FFFF;
	_ =	strace $0x90000046  }
0xb3: {  	s29 =	simm.s32 $0x9;
	_ =	strace $0x80000048  }
0xb4: {  	_ =	swait.ge [sflag:s29], $0x1  }
0xb5: {  	[sflag:s29] =	ssyncadd.s32 $0xFFFFFFFF  }
0xb6: {  	_ =	strace $0x90000048  }
0xb7: {  	_ =	sfence  }
0xb8: {  	s30 =	sld [smem:$0x0];
	_ =	sdelay $0x2  }
0xb9: {  	s31 =	sshll.u32 s1, $0xD;
	s1 =	sshrl.u32 s1, $0x2  }
0xba: {  	s3 =	sand.u32 $0x4000, s31;
	s1 =	sadd.s32 s1, s30  }
0xbb: {  	s0 =	sor.u32 s3, s0;
	s1 =	sshll.u32 s1, $0x11  }
0xbc: {  	s0 =	sor.u32 s1, s0  }
0xbd: {  	s0 =	sadd.s32 $0x8F2B, s0  }
0xbe: {  	[sflag:s0] =	ssyncadd.remote.s32 $0x1  }
0xbf: {  	_ =	sfence.sel $0xFFFF  }
0xc0: {  	[dreg:$0x0] =	wrdreg $0xFFFFFFFF;
	(pc) =	sbr.abs _section_cstart, $3  }
0xc1: {  	[dreg:$0x1] =	wrdreg $0xFFFFFFFF  }
0xc2: {  	_ =	task.clear_ibuf [dreg:s7], $0x2FFFF;
	_ =	strace $0x9FFFFFFF  }
0xc3: {  	(tm) =	ssettm $0x7FFFFFFF  }
tec
execute0_lowered:
.L_overlay_start_1:
0x0: {  	(tag) =	ssettag $0x1  }
0x1: {  	s7 =	rddreg [dreg:$0x0]  }
0x2: {  	s5 =	rddreg [dreg:$0x1]  }
0x3: {  	s2 =	rddreg [dreg:$0x2]  }
0x4: {  	s0 =	rddreg [dreg:$0x3]  }
0x5: {  	s1 =	stileid.u32;
	s4 =	srdreg.scid;
	s3 =	simm.s32 $0x0  }
0x6: {  	s15 =	simm.s32 $0x2;
	s16 =	simm.s32 $0x0;
	s6 =	smul.u32 $0x14000, s1  }
0x7: {  	s8 =	sand.u32 $0x1, s4;
	[smem:$0x7FF] =	sst s3;
	s28 =	smul.u32 $0x50000, s1  }
0x8: {  	s4 =	sadd.s32 $0x2A600, s5;
	s31 =	sshll.u32 s1, $0x6;
	s9 =	smul.u32 $0x140000, s8  }
0x9: {  	_ =	strace $0x80000047;
	s11 =	sshll.u32 s8, $0x4;
	s29 =	ssub.s32 $0x2, s8  }
0xa: {  	s26 =	sshrl.u32 s6, $0x3;
	s30 =	sor.u32 s1, s11;
	s8 =	sshrl.u32 s29, $0x1  }
0xb: {  	s10 =	sadd.s32 s26, s5;
	s6 =	sadd.s32 s6, s9;
	s9 =	sshrl.u32 s28, $0x2  }
0xc: {  	s11 =	smul.u32 $0x500, s30;
	s13 =	ssub.s32 s29, s8;
	s6 =	sshrl.u32 s6, $0x3  }
0xd: {  	s14 =	sadd.s32 s9, s2;
	s9 =	smax.u32 s13, $0x1;
	s13 =	simm.s32 $0x80  }
0xe: {  	s12 =	sadd.s32 s6, s5;
	s5 =	sadd.s32 $0x2600, s10;
	s6 =	sor.u32 $0x1C03, s31  }
0xf: {  	s7 =	sadd.s32 s7, s11;
	s10 =	sshrl.u32 s14, $0x3;
	s11 =	simm.s32 $0x3  }
0x10: {  	s14 =	simm.s32 $0x1;
	s8 =	sadd.s32 $0x2AE00, s12;
	s12 =	simm.s32 $0x2800  }
.LBB2_1:
0x11: {  	[spmem:s10], [sflag:s6] =	dma.local [hbm:s5], $0x2800  }
0x12: {  	_ =	swait.ge [sflag:s11], $0x2800  }
0x13: {  	[sflag:s11] =	ssyncset.done $0x0  }
0x14: {  	[sflag:s11] =	ssyncadd.s32 $0xFFFFD800  }
0x15: {  	[tilespmem:s3], [sflag:$0x3] =	stream.linear.gather [hbm4b:s7+s3], $0x2800, $0x38;
	[tilespmem:$0x1A800] =	vst v63  }
0x16: {  	_ =	swait.ge [sflag:s11], $0x2800  }
0x17: {  	[sflag:s11] =	ssyncset.done $0x0  }
0x18: {  	[sflag:s11] =	ssyncadd.s32 $0xFFFFD800  }
0x19: {  	[tilespmem:s12], [sflag:$0x3] =	stream.linear.gather [hbm4b:s4+s3], $0x4000, $0x38;
	[tilespmem:$0x1A800] =	vst v63  }
0x1a: {  	_ =	swait.ge [sflag:s11], $0x4000  }
0x1b: {  	[sflag:s11] =	ssyncset.done $0x0  }
0x1c: {  	[sflag:s11] =	ssyncadd.s32 $0xFFFFC000  }
0x1d: {  	[bflag:$0x0] =	sbarrier.arrive $0xFFFF  }
0x1e: {  	[spmem:s2] =	stream.indirect.scatter.add.f32 [tilespmem:s12], [sflag:$0x1], $0x80, s3, s13, $0xb8;
	[tilespmem:$0x1A800] =	vst v63  }
0x1f: {  	_ =	swait.ge [sflag:s14], $0x4000  }
0x20: {  	[sflag:s14] =	ssyncset.done $0x0  }
0x21: {  	[sflag:s14] =	ssyncadd.s32 $0xFFFFC000  }
0x22: {  	[spmem:s2] =	stream.indirect.scatter.add.f32 [tilespmem:s12], [sflag:$0x2], $0x80, s13, s13, $0xb8;
	[tilespmem:$0x1A800] =	vst v63  }
0x23: {  	_ =	swait.ge [sflag:s15], $0x4000  }
0x24: {  	[sflag:s15] =	ssyncset.done $0x0  }
0x25: {  	s17 =	simm.s32 $0x100;
	[sflag:s15] =	ssyncadd.s32 $0xFFFFC000  }
0x26: {  	[spmem:s2] =	stream.indirect.scatter.add.f32 [tilespmem:s12], [sflag:$0x1], $0x80, s17, s13, $0xb8;
	[tilespmem:$0x1A800] =	vst v63  }
0x27: {  	_ =	swait.ge [sflag:s14], $0x4000  }
0x28: {  	[sflag:s14] =	ssyncset.done $0x0  }
0x29: {  	s18 =	simm.s32 $0x180;
	s17 =	simm.s32 $0xFFFF6800;
	[sflag:s14] =	ssyncadd.s32 $0xFFFFC000  }
.LBB2_2:
0x2a: {  	[spmem:s2] =	stream.indirect.scatter.add.f32 [tilespmem:s12], [sflag:$0x2], $0x80, s18, s13, $0xb8;
	[tilespmem:$0x1A800] =	vst v63  }
0x2b: {  	s18 =	smov.u32 s17  }
0x2c: {  	p0 =	sne.s32 s17, $0xFFFFFC00;
	s17 =	sadd.s32 $0x400, s17;
	_ =	swait.ge [sflag:s15], $0x4000  }
0x2d: {  	s18 =	sshra.s32 s18, $0x2;
	[sflag:s15] =	ssyncset.done $0x0  }
.Ltmp0:
0x2e: {  	s19 =	sadd.s32 $0x2800, s18;
	[sflag:s15] =	ssyncadd.s32 $0xFFFFC000;
	(pc) =	sbr.rel @p0 .LBB2_2-.Ltmp0, $4  }
0x2f: {  	[spmem:s2] =	stream.indirect.scatter.add.f32 [tilespmem:s12], [sflag:$0x1], $0x80, s19, s13, $0xb8;
	[tilespmem:$0x1A800] =	vst v63  }
0x30: {  	_ =	swait.ge [sflag:s14], $0x4000  }
0x31: {  	[sflag:s14] =	ssyncset.done $0x0  }
0x32: {  	s18 =	sadd.s32 $0x2880, s18;
	[sflag:s14] =	ssyncadd.s32 $0xFFFFC000  }
0x33: {  	[spmem:s2] =	stream.indirect.scatter.add.f32 [tilespmem:s12], [sflag:$0x2], $0x80, s18, s13, $0xb8;
	[tilespmem:$0x1A800] =	vst v63  }
0x34: {  	_ =	swait.ge [sflag:s15], $0x4000  }
0x35: {  	s16 =	sadd.s32 $0x1, s16;
	[sflag:s15] =	ssyncset.done $0x0  }
0x36: {  	p0 =	sne.s32 s16, s9;
	[sflag:s15] =	ssyncadd.s32 $0xFFFFC000  }
.Ltmp1:
0x37: {  	[bflag:$0x0] =	sbarrier.arrive $0xFFFF;
	(pc) =	sbr.rel @p0 .LBB2_1-.Ltmp1, $4  }
0x38: {  	[hbm:s8], [sflag:s6] =	dma.local [spmem:s10], $0x2800  }
0x39: {  	_ =	swait.ge [sflag:s11], $0x2800  }
0x3a: {  	[sflag:s11] =	ssyncset.done $0x0  }
0x3b: {  	[sflag:s11] =	ssyncadd.s32 $0xFFFFD800  }
0x3c: {  	_ =	sfence.sel $0x180000  }
0x3d: {  	[bflag:$0x0] =	sbarrier.arrive $0xFFFF  }
0x3e: {  	p0 =	sne.s32 s1, $0x0;
	_ =	strace $0x90000047  }
0x3f: {  	s0 =	sadd.s32 @!p0 $0x100000, s0;
	[bflag:$0x2] =	sbarrier.arrive $0xFFFF  }
0x40: {  	[sflag:s0] =	ssyncadd.tile.s32 @!p0 $0x1;
	_ =	shalt  }
.Lfunc_end2:
_tile_overlayer_lowered:
.L_overlay_start_2:
0x41: {  	(tag) =	ssettag $0x2  }
0x42: {  	s0 =	rddreg [dreg:$0x0];
	s2 =	stileid.u32  }
0x43: {  	s1 =	rddreg [dreg:$0x1];
	p0 =	sne.s32 s2, $0x0  }
0x44: {  	s3 =	rddreg [dreg:$0x2];
	[bflag:$0x3] =	sbarrier.arrive $0xFFFF;
	s2 =	simm.s32 @!p0 $0x1C03  }
0x45: {  	[timem:s3], [sflag:s2] =	dma.local @!p0 [hbm:s0], s1  }
0x46: {  	s0 =	simm.s32 @!p0 $0x3  }
0x47: {  	_ =	swait.ge @!p0 [sflag:s0], s1  }
0x48: {  	s1 =	ssub.s32 @!p0 $0x0, s1;
	[sflag:s0] =	ssyncset.done @!p0 $0x0  }
0x49: {  	[sflag:s0] =	ssyncadd.s32 @!p0 s1  }
0x4a: {  	[bflag:$0x3] =	sbarrier.arrive $0xFFFF  }
0x4b: {  	_ =	shalt  }

</sc_bundles>
